<compile_context>
chip_gen: v7x
topology: tpu7x:2x2x1
jax: 0.10.2.dev20260603
libtpu: 0.0.44.dev20260713+nightly
codegen_flags: <defaults>
</compile_context>

<pallas_src>
import functools

import jax
import jax.numpy as jnp
from jax import lax
from jax.experimental import pallas as pl
from jax.experimental.pallas import tpu as pltpu
from jax.experimental.pallas import tpu_sc as plsc

EPS = 1e-5
NC = 2
NS = 16
NW = NC * NS
CH = 125


def _sc_mesh():
    return plsc.VectorSubcoreMesh(
        core_axis_name="c", subcore_axis_name="s", num_cores=NC,
        num_subcores=NS)


_SC_PARAMS = pltpu.CompilerParams(needs_layout_passes=False,
                                  use_tc_tiling_on_sc=False,
                                  skip_device_barrier=True)


def _deg_body(ei_hbm, out_hbm, idx_v, deg_v, sem):
    e = ei_hbm.shape[1]
    n = deg_v.shape[0]
    et = e // NW
    wid = lax.axis_index("c") * NS + lax.axis_index("s")
    cp = pltpu.async_copy(ei_hbm.at[1, pl.ds(wid * et, et)], idx_v, sem)
    zeros16 = jnp.zeros((16,), jnp.float32)

    def zb(i, _):
        deg_v[pl.ds(i * 16, 16)] = zeros16
        return ()
    lax.fori_loop(0, n // 16, zb, ())
    cp.wait()

    ones16 = jnp.ones((16,), jnp.float32)

    def sb(i, _):
        idx = idx_v[pl.ds(i * 16, 16)]
        plsc.addupdate_scatter(deg_v, [idx], ones16)
        return ()
    lax.fori_loop(0, et // 16, sb, ())
    pltpu.sync_copy(deg_v, out_hbm.at[pl.ds(wid * n, n)])


def _deg_partials(ei, n):
    e = ei.shape[1]
    return pl.kernel(
        _deg_body,
        out_type=jax.ShapeDtypeStruct((NW * n,), jnp.float32),
        mesh=_sc_mesh(),
        compiler_params=_SC_PARAMS,
        scratch_types=[
            pltpu.VMEM((e // NW,), jnp.int32),
            pltpu.VMEM((n,), jnp.float32),
            pltpu.SemaphoreType.DMA,
        ],
    )(ei).reshape(NW, n)


NBUF = 5


def _agg1_body(ei_hbm, hs_hbm, out_hbm, idxs_v, idxd_v, rows_v,
               zbuf_v, acc_sh, *sems):
    _, nrow, ch = ei_hbm.shape
    npad, d = hs_hbm.shape
    nch = nrow // NW
    sl = npad // NS
    zr = zbuf_v.shape[0]
    c = lax.axis_index("c")
    s = lax.axis_index("s")
    wid = c * NS + s

    cp_s = pltpu.async_copy(ei_hbm.at[0, pl.ds(wid * nch, nch)], idxs_v,
                            sems[NBUF])
    cp_d = pltpu.async_copy(ei_hbm.at[1, pl.ds(wid * nch, nch)], idxd_v,
                            sems[NBUF + 1])

    zeros16 = jnp.zeros((16,), jnp.float32)

    def zb(i, _):
        zbuf_v[i // (d // 16), pl.ds((i % (d // 16)) * 16, 16)] = zeros16
        return ()
    lax.fori_loop(0, zr * (d // 16), zb, ())

    def zc(i, _):
        pltpu.sync_copy(zbuf_v, acc_sh.at[pl.ds(s * sl + i * zr, zr)])
        return ()
    lax.fori_loop(0, sl // zr, zc, ())
    cp_s.wait()
    cp_d.wait()
    plsc.subcore_barrier()

    ngrp = nch // NBUF
    for b in range(NBUF):
        pltpu.async_copy(hs_hbm.at[idxs_v.at[b]], rows_v.at[b], sems[b])

    def cb(g, _):
        for b in range(NBUF):
            j = g * NBUF + b
            pltpu.make_async_copy(hs_hbm.at[idxs_v.at[j]], rows_v.at[b],
                                  sems[b]).wait()
            pltpu.async_copy(rows_v.at[b], acc_sh.at[idxd_v.at[j]],
                             sems[NBUF + 2 + b], add=True)
        for b in range(NBUF):
            j = g * NBUF + b

            @pl.when(g < ngrp - 1)
            def _():
                pltpu.make_async_copy(rows_v.at[b], acc_sh.at[idxd_v.at[j]],
                                      sems[NBUF + 2 + b]).wait()
                pltpu.async_copy(hs_hbm.at[idxs_v.at[j + NBUF]],
                                 rows_v.at[b], sems[b])
        return ()
    lax.fori_loop(0, ngrp, cb, ())
    for b in range(NBUF):
        j = nch - NBUF + b
        pltpu.make_async_copy(rows_v.at[b], acc_sh.at[idxd_v.at[j]],
                              sems[NBUF + 2 + b]).wait()
    plsc.subcore_barrier()

    def wb(i, _):
        pltpu.sync_copy(acc_sh.at[pl.ds(s * sl + i * zr, zr)], zbuf_v)
        pltpu.sync_copy(zbuf_v, out_hbm.at[c, pl.ds(s * sl + i * zr, zr)])
        return ()
    lax.fori_loop(0, sl // zr, wb, ())


def _agg1(eiR, hs_pad):
    npad, d = hs_pad.shape
    _, nrow, ch = eiR.shape
    nch = nrow // NW
    return pl.kernel(
        _agg1_body,
        out_type=jax.ShapeDtypeStruct((NC, npad, d), jnp.float32),
        mesh=_sc_mesh(),
        compiler_params=_SC_PARAMS,
        scratch_types=[
            pltpu.VMEM((nch, ch), jnp.int32),
            pltpu.VMEM((nch, ch), jnp.int32),
            pltpu.VMEM((NBUF, ch, d), jnp.float32),
            pltpu.VMEM((128, d), jnp.float32),
            pltpu.VMEM_SHARED((npad, d), jnp.float32),
        ] + [pltpu.SemaphoreType.DMA] * (2 * NBUF + 2),
    )(eiR, hs_pad)


def _agg2_body(ei_hbm, tst_hbm, out_hbm, ts0_v, ts1_v, acc0_v,
               acc1_v, idxs_v, idxd_v, sem0, sem1, sem2, sem3):
    e = ei_hbm.shape[1]
    n = ts0_v.shape[0]
    et = e // NW
    wid = lax.axis_index("c") * NS + lax.axis_index("s")
    base = wid * et
    cp0 = pltpu.async_copy(tst_hbm.at[0], ts0_v, sem0)
    cp1 = pltpu.async_copy(tst_hbm.at[1], ts1_v, sem1)
    cp2 = pltpu.async_copy(ei_hbm.at[0, pl.ds(base, et)], idxs_v, sem2)
    cp3 = pltpu.async_copy(ei_hbm.at[1, pl.ds(base, et)], idxd_v, sem3)
    zeros16 = jnp.zeros((16,), jnp.float32)

    def zb(i, _):
        acc0_v[pl.ds(i * 16, 16)] = zeros16
        acc1_v[pl.ds(i * 16, 16)] = zeros16
        return ()
    lax.fori_loop(0, n // 16, zb, ())
    cp0.wait()
    cp1.wait()
    cp2.wait()
    cp3.wait()

    def sb(i, _):
        si = idxs_v[pl.ds(i * 16, 16)]
        di = idxd_v[pl.ds(i * 16, 16)]
        v0 = plsc.load_gather(ts0_v, [si])
        v1 = plsc.load_gather(ts1_v, [si])
        plsc.addupdate_scatter(acc0_v, [di], v0)
        plsc.addupdate_scatter(acc1_v, [di], v1)
        return ()
    lax.fori_loop(0, et // 16, sb, ())
    pltpu.sync_copy(acc0_v, out_hbm.at[pl.ds((wid * 2) * n, n)])
    pltpu.sync_copy(acc1_v, out_hbm.at[pl.ds((wid * 2 + 1) * n, n)])


def _agg2(ei, tst):
    e = ei.shape[1]
    n = tst.shape[1]
    return pl.kernel(
        _agg2_body,
        out_type=jax.ShapeDtypeStruct((NW * 2 * n,), jnp.float32),
        mesh=_sc_mesh(),
        compiler_params=_SC_PARAMS,
        scratch_types=[
            pltpu.VMEM((n,), jnp.float32),
            pltpu.VMEM((n,), jnp.float32),
            pltpu.VMEM((n,), jnp.float32),
            pltpu.VMEM((n,), jnp.float32),
            pltpu.VMEM((e // NW,), jnp.int32),
            pltpu.VMEM((e // NW,), jnp.int32),
            pltpu.SemaphoreType.DMA,
            pltpu.SemaphoreType.DMA,
            pltpu.SemaphoreType.DMA,
            pltpu.SemaphoreType.DMA,
        ],
    )(ei, tst).reshape(NW, 2, n)


def _tc_b_body(x_ref, w1_ref, degp_ref, hs_ref, dinv_ref):
    n = x_ref.shape[0]
    npad, d = hs_ref.shape
    deg = jnp.sum(degp_ref[...], axis=0)[:, None] + 1.0
    dinv = lax.rsqrt(deg)
    h0 = jnp.dot(x_ref[...], w1_ref[...], preferred_element_type=jnp.float32)
    hs_ref[:n] = h0 * dinv
    hs_ref[n:] = jnp.zeros((npad - n, d), jnp.float32)
    dinv_ref[...] = dinv


def _tc_d_body(p_ref, hs_ref, dinv_ref, b1_ref, g1_ref, be1_ref, w2_ref,
               ts_ref, tst_ref):
    dinv = dinv_ref[...]
    n = dinv.shape[0]
    p = (p_ref[0] + p_ref[1])[:n]
    pre = (p + hs_ref[:n]) * dinv + b1_ref[...][None, :]
    mu = jnp.mean(pre, axis=0, keepdims=True)
    var = jnp.mean((pre - mu) ** 2, axis=0, keepdims=True)
    h1 = jnp.maximum(
        (pre - mu) * lax.rsqrt(var + EPS) * g1_ref[...][None, :]
        + be1_ref[...][None, :], 0.0)
    t = jnp.dot(h1, w2_ref[...], preferred_element_type=jnp.float32)
    ts = t * dinv
    ts_ref[...] = ts
    tst_ref[...] = ts.T


def _tc_f_body(q_ref, ts_ref, dinv_ref, b2_ref, g2_ref, be2_ref, wd_ref,
               bd_ref, out_ref):
    q = jnp.sum(q_ref[...], axis=0)
    z = (q.T + ts_ref[...]) * dinv_ref[...] + b2_ref[...][None, :]
    mu = jnp.mean(z, axis=0, keepdims=True)
    var = jnp.mean((z - mu) ** 2, axis=0, keepdims=True)
    zbn = ((z - mu) * lax.rsqrt(var + EPS) * g2_ref[...][None, :]
           + be2_ref[...][None, :])
    out_ref[...] = (jnp.dot(zbn, wd_ref[...],
                            preferred_element_type=jnp.float32)
                    + bd_ref[...][None, :])


def kernel(x, edge_index, W1, b1, g1, be1, W2, b2, g2, be2, Wd, bd):
    n, d_in = x.shape
    hid = W1.shape[1]

    degp = _deg_partials(edge_index, n)

    npad = ((n + NS * 128 - 1) // (NS * 128)) * (NS * 128)
    hs, dinv = pl.pallas_call(
        _tc_b_body,
        out_shape=(jax.ShapeDtypeStruct((npad, hid), jnp.float32),
                   jax.ShapeDtypeStruct((n, 1), jnp.float32)),
    )(x, W1, degp)

    P = _agg1(edge_index.reshape(2, -1, CH), hs)

    ts, tst = pl.pallas_call(
        _tc_d_body,
        out_shape=(jax.ShapeDtypeStruct((n, W2.shape[1]), jnp.float32),
                   jax.ShapeDtypeStruct((W2.shape[1], n), jnp.float32)),
    )(P, hs, dinv, b1, g1, be1, W2)

    Q = _agg2(edge_index, tst)

    out = pl.pallas_call(
        _tc_f_body,
        out_shape=jax.ShapeDtypeStruct((n, Wd.shape[1]), jnp.float32),
    )(Q, ts, dinv, b2, g2, be2, Wd, bd)
    return out

# --- scband reference (transcript-rebuilt; emitter-appended) ---
"""Pipeline reference for scband-gae-39470749450257 (READ-ONLY COPY).

The authoritative reference and input builder live on the scoring server;
editing this copy changes nothing except your own understanding.
"""

import jax, jax.numpy as jnp
import numpy as np

N = 10000
E = 320000
D_IN = 128
HID = 64
D_OUT = 2
EPS = 1e-5


def setup_inputs(seed: int = 0) -> dict:
    key = jax.random.key(seed)
    ks = jax.random.split(key, 12)
    x = jax.random.normal(ks[0], (N, D_IN), dtype=jnp.float32)
    edge_index = jax.random.randint(ks[1], (2, E), 0, N, dtype=jnp.int32)
    W1 = jax.random.normal(ks[2], (D_IN, HID), dtype=jnp.float32) * (1.0 / np.sqrt(D_IN))
    b1 = jnp.zeros((HID,), dtype=jnp.float32)
    g1 = jnp.ones((HID,), dtype=jnp.float32)
    be1 = jnp.zeros((HID,), dtype=jnp.float32)
    W2 = jax.random.normal(ks[3], (HID, D_OUT), dtype=jnp.float32) * (1.0 / np.sqrt(HID))
    b2 = jnp.zeros((D_OUT,), dtype=jnp.float32)
    g2 = jnp.ones((D_OUT,), dtype=jnp.float32)
    be2 = jnp.zeros((D_OUT,), dtype=jnp.float32)
    Wd = jax.random.normal(ks[4], (D_OUT, D_IN), dtype=jnp.float32) * (1.0 / np.sqrt(D_OUT))
    bd = jnp.zeros((D_IN,), dtype=jnp.float32)
    return {"x": x, "edge_index": edge_index, "W1": W1, "b1": b1, "g1": g1, "be1": be1,
            "W2": W2, "b2": b2, "g2": g2, "be2": be2, "Wd": Wd, "bd": bd}


def _gcn_conv(x, edge_index, W, b):
    # GCNConv: symmetric normalization with self-loops
    h = x @ W
    src = edge_index[0]
    dst = edge_index[1]
    loop = jnp.arange(N, dtype=src.dtype)
    src = jnp.concatenate([src, loop])
    dst = jnp.concatenate([dst, loop])
    deg = jnp.zeros((N,), dtype=x.dtype).at[dst].add(1.0)
    dinv = jax.lax.rsqrt(deg)
    norm = dinv[src] * dinv[dst]
    msg = h[src] * norm[:, None]
    out = jnp.zeros((N, h.shape[1]), dtype=x.dtype).at[dst].add(msg)
    return out + b


def _batch_norm(x, g, be):
    mu = jnp.mean(x, axis=0)
    var = jnp.var(x, axis=0)
    return (x - mu) * jax.lax.rsqrt(var + EPS) * g + be


def reference(x, edge_index, W1, b1, g1, be1, W2, b2, g2, be2, Wd, bd):
    h = _gcn_conv(x, edge_index, W1, b1)
    h = jax.nn.relu(_batch_norm(h, g1, be1))
    # dropout is identity in eval / deterministic reference
    z = _gcn_conv(h, edge_index, W2, b2)
    z = _batch_norm(z, g2, be2)
    return z @ Wd + bd

if __name__ == "__main__":
    import jax
    _d = setup_inputs()
    print(jax.jit(kernel)(*tuple(_d.values())))

</pallas_src>

<mosaic_0001>
#map = affine_map<(d0, d1) -> (0, 0)>
#map1 = affine_map<(d0, d1) -> (0)>
module attributes {stable_mosaic.version = 14 : i64} {
  func.func @_agg2_body(%arg0: i32, %arg1: i32, %arg2: memref<2x320000xi32, #tpu.memory_space<hbm>>, %arg3: memref<2x10000xf32, #tpu.memory_space<hbm>>, %arg4: memref<640000xf32, #tpu.memory_space<hbm>>, %arg5: memref<10000xf32, #tpu.memory_space<vmem>>, %arg6: memref<10000xf32, #tpu.memory_space<vmem>>, %arg7: memref<10000xf32, #tpu.memory_space<vmem>>, %arg8: memref<10000xf32, #tpu.memory_space<vmem>>, %arg9: memref<10000xi32, #tpu.memory_space<vmem>>, %arg10: memref<10000xi32, #tpu.memory_space<vmem>>, %arg11: memref<!tpu.dma_semaphore, #tpu.memory_space<semaphore_mem>>, %arg12: memref<!tpu.dma_semaphore, #tpu.memory_space<semaphore_mem>>, %arg13: memref<!tpu.dma_semaphore, #tpu.memory_space<semaphore_mem>>, %arg14: memref<!tpu.dma_semaphore, #tpu.memory_space<semaphore_mem>>) attributes {dimension_semantics = [#tpu.dimension_semantics<core_parallel>, #tpu.dimension_semantics<subcore_parallel>], iteration_bounds = array<i64: 2, 16>, scalar_prefetch = 0 : i64, scratch_operands = 10 : i64, tpu.core_type = #tpu.core_type<sc_vector_subcore>, window_params = [{transform_indices = #map}, {transform_indices = #map}, {transform_indices = #map1}]} {
    %mul3A = arith.constant 16 : i32
    %mul3A_0 = arith.muli %arg0, %mul3A : i32
    %add3A = arith.addi %mul3A_0, %arg1 : i32
    %mul3A_1 = arith.constant 10000 : i32
    %mul3A_2 = arith.muli %add3A, %mul3A_1 : i32
    %dma_start3A = arith.constant 0 : i32
    %dma_start3A_3 = arith.constant 0 : i32
    %dma_start3A_4 = tpu.memref_slice %arg3[%dma_start3A, %dma_start3A_3] : memref<2x10000xf32, #tpu.memory_space<hbm>> -> memref<1x10000xf32, #tpu.memory_space<hbm>>
    %dma_start3A_5 = tpu.memref_squeeze %dma_start3A_4 : memref<1x10000xf32, #tpu.memory_space<hbm>> -> memref<10000xf32, #tpu.memory_space<hbm>>
    %dma_start3A_6 = arith.constant 0 : i32
    %dma_start3A_7 = tpu.memref_slice %arg3[%dma_start3A, %dma_start3A_6] : memref<2x10000xf32, #tpu.memory_space<hbm>> -> memref<1x10000xf32, #tpu.memory_space<hbm>>
    %dma_start3A_8 = tpu.memref_squeeze %dma_start3A_7 : memref<1x10000xf32, #tpu.memory_space<hbm>> -> memref<10000xf32, #tpu.memory_space<hbm>>
    tpu.enqueue_dma source(%dma_start3A_8 : memref<10000xf32, #tpu.memory_space<hbm>>) target(%arg5 : memref<10000xf32, #tpu.memory_space<vmem>>) target_semaphore(%arg11 : memref<!tpu.dma_semaphore, #tpu.memory_space<semaphore_mem>>)
    %dma_start3A_9 = arith.constant 1 : i32
    %dma_start3A_10 = arith.constant 0 : i32
    %dma_start3A_11 = tpu.memref_slice %arg3[%dma_start3A_9, %dma_start3A_10] : memref<2x10000xf32, #tpu.memory_space<hbm>> -> memref<1x10000xf32, #tpu.memory_space<hbm>>
    %dma_start3A_12 = tpu.memref_squeeze %dma_start3A_11 : memref<1x10000xf32, #tpu.memory_space<hbm>> -> memref<10000xf32, #tpu.memory_space<hbm>>
    %dma_start3A_13 = arith.constant 0 : i32
    %dma_start3A_14 = tpu.memref_slice %arg3[%dma_start3A_9, %dma_start3A_13] : memref<2x10000xf32, #tpu.memory_space<hbm>> -> memref<1x10000xf32, #tpu.memory_space<hbm>>
    %dma_start3A_15 = tpu.memref_squeeze %dma_start3A_14 : memref<1x10000xf32, #tpu.memory_space<hbm>> -> memref<10000xf32, #tpu.memory_space<hbm>>
    tpu.enqueue_dma source(%dma_start3A_15 : memref<10000xf32, #tpu.memory_space<hbm>>) target(%arg6 : memref<10000xf32, #tpu.memory_space<vmem>>) target_semaphore(%arg12 : memref<!tpu.dma_semaphore, #tpu.memory_space<semaphore_mem>>)
    %dma_start3A_16 = arith.constant 0 : i32
    %dma_start3A_17 = tpu.memref_slice %arg2[%dma_start3A_16, %mul3A_2] : memref<2x320000xi32, #tpu.memory_space<hbm>> -> memref<1x10000xi32, #tpu.memory_space<hbm>>
    %dma_start3A_18 = tpu.memref_squeeze %dma_start3A_17 : memref<1x10000xi32, #tpu.memory_space<hbm>> -> memref<10000xi32, #tpu.memory_space<hbm>>
    %dma_start3A_19 = tpu.memref_slice %arg2[%dma_start3A_16, %mul3A_2] : memref<2x320000xi32, #tpu.memory_space<hbm>> -> memref<1x10000xi32, #tpu.memory_space<hbm>>
    %dma_start3A_20 = tpu.memref_squeeze %dma_start3A_19 : memref<1x10000xi32, #tpu.memory_space<hbm>> -> memref<10000xi32, #tpu.memory_space<hbm>>
    tpu.enqueue_dma source(%dma_start3A_20 : memref<10000xi32, #tpu.memory_space<hbm>>) target(%arg9 : memref<10000xi32, #tpu.memory_space<vmem>>) target_semaphore(%arg13 : memref<!tpu.dma_semaphore, #tpu.memory_space<semaphore_mem>>)
    %dma_start3A_21 = arith.constant 1 : i32
    %dma_start3A_22 = tpu.memref_slice %arg2[%dma_start3A_21, %mul3A_2] : memref<2x320000xi32, #tpu.memory_space<hbm>> -> memref<1x10000xi32, #tpu.memory_space<hbm>>
    %dma_start3A_23 = tpu.memref_squeeze %dma_start3A_22 : memref<1x10000xi32, #tpu.memory_space<hbm>> -> memref<10000xi32, #tpu.memory_space<hbm>>
    %dma_start3A_24 = tpu.memref_slice %arg2[%dma_start3A_21, %mul3A_2] : memref<2x320000xi32, #tpu.memory_space<hbm>> -> memref<1x10000xi32, #tpu.memory_space<hbm>>
    %dma_start3A_25 = tpu.memref_squeeze %dma_start3A_24 : memref<1x10000xi32, #tpu.memory_space<hbm>> -> memref<10000xi32, #tpu.memory_space<hbm>>
    tpu.enqueue_dma source(%dma_start3A_25 : memref<10000xi32, #tpu.memory_space<hbm>>) target(%arg10 : memref<10000xi32, #tpu.memory_space<vmem>>) target_semaphore(%arg14 : memref<!tpu.dma_semaphore, #tpu.memory_space<semaphore_mem>>)
    %broadcast_in_dim3A = arith.constant 0.000000e+00 : f32
    %broadcast_in_dim3A_26 = vector.broadcast %broadcast_in_dim3A : f32 to vector<16xf32>
    %scan3A = arith.constant 0 : i32
    %scan3A_27 = arith.constant 625 : i32
    %scan3A_28 = arith.addi %scan3A, %scan3A_27 : i32
    %scan3A_29 = arith.constant 1 : i32
    scf.for %scan3A_69 = %scan3A to %scan3A_28 step %scan3A_29  : i32 {
      %mul3A_70 = arith.constant 16 : i32
      %mul3A_71 = arith.muli %scan3A_69, %mul3A_70 : i32
      %swap3A = arith.index_cast %mul3A_71 : i32 to index
      %swap3A_72 = tpu.vector_load %arg7[%swap3A] {strides = array<i32>} : memref<10000xf32, #tpu.memory_space<vmem>>, vector<16xf32>,
      tpu.vector_store %arg7[%swap3A], %broadcast_in_dim3A_26 {strides = array<i32>} : memref<10000xf32, #tpu.memory_space<vmem>>, vector<16xf32>,
      %mul3A_73 = arith.constant 16 : i32
      %mul3A_74 = arith.muli %scan3A_69, %mul3A_73 : i32
      %swap3A_75 = arith.index_cast %mul3A_74 : i32 to index
      %swap3A_76 = tpu.vector_load %arg8[%swap3A_75] {strides = array<i32>} : memref<10000xf32, #tpu.memory_space<vmem>>, vector<16xf32>,
      tpu.vector_store %arg8[%swap3A_75], %broadcast_in_dim3A_26 {strides = array<i32>} : memref<10000xf32, #tpu.memory_space<vmem>>, vector<16xf32>,
    }
    %scan3A_30 = arith.constant 625 : i32
    %dma_wait3A = arith.constant 0 : i32
    %dma_wait3A_31 = arith.constant 0 : i32
    %dma_wait3A_32 = tpu.memref_slice %arg3[%dma_wait3A, %dma_wait3A_31] : memref<2x10000xf32, #tpu.memory_space<hbm>> -> memref<1x10000xf32, #tpu.memory_space<hbm>>
    %dma_wait3A_33 = tpu.memref_squeeze %dma_wait3A_32 : memref<1x10000xf32, #tpu.memory_space<hbm>> -> memref<10000xf32, #tpu.memory_space<hbm>>
    %dma_wait3A_34 = arith.constant 0 : i32
    %dma_wait3A_35 = tpu.memref_slice %arg3[%dma_wait3A, %dma_wait3A_34] : memref<2x10000xf32, #tpu.memory_space<hbm>> -> memref<1x10000xf32, #tpu.memory_space<hbm>>
    %dma_wait3A_36 = tpu.memref_squeeze %dma_wait3A_35 : memref<1x10000xf32, #tpu.memory_space<hbm>> -> memref<10000xf32, #tpu.memory_space<hbm>>
    tpu.wait_dma2 semaphore(%arg11 : memref<!tpu.dma_semaphore, #tpu.memory_space<semaphore_mem>>) src(%dma_wait3A_36 : memref<10000xf32, #tpu.memory_space<hbm>>) dst(%arg5 : memref<10000xf32, #tpu.memory_space<vmem>>)
    %dma_wait3A_37 = arith.constant 1 : i32
    %dma_wait3A_38 = arith.constant 0 : i32
    %dma_wait3A_39 = tpu.memref_slice %arg3[%dma_wait3A_37, %dma_wait3A_38] : memref<2x10000xf32, #tpu.memory_space<hbm>> -> memref<1x10000xf32, #tpu.memory_space<hbm>>
    %dma_wait3A_40 = tpu.memref_squeeze %dma_wait3A_39 : memref<1x10000xf32, #tpu.memory_space<hbm>> -> memref<10000xf32, #tpu.memory_space<hbm>>
    %dma_wait3A_41 = arith.constant 0 : i32
    %dma_wait3A_42 = tpu.memref_slice %arg3[%dma_wait3A_37, %dma_wait3A_41] : memref<2x10000xf32, #tpu.memory_space<hbm>> -> memref<1x10000xf32, #tpu.memory_space<hbm>>
    %dma_wait3A_43 = tpu.memref_squeeze %dma_wait3A_42 : memref<1x10000xf32, #tpu.memory_space<hbm>> -> memref<10000xf32, #tpu.memory_space<hbm>>
    tpu.wait_dma2 semaphore(%arg12 : memref<!tpu.dma_semaphore, #tpu.memory_space<semaphore_mem>>) src(%dma_wait3A_43 : memref<10000xf32, #tpu.memory_space<hbm>>) dst(%arg6 : memref<10000xf32, #tpu.memory_space<vmem>>)
    %dma_wait3A_44 = arith.constant 0 : i32
    %dma_wait3A_45 = tpu.memref_slice %arg2[%dma_wait3A_44, %mul3A_2] : memref<2x320000xi32, #tpu.memory_space<hbm>> -> memref<1x10000xi32, #tpu.memory_space<hbm>>
    %dma_wait3A_46 = tpu.memref_squeeze %dma_wait3A_45 : memref<1x10000xi32, #tpu.memory_space<hbm>> -> memref<10000xi32, #tpu.memory_space<hbm>>
    %dma_wait3A_47 = tpu.memref_slice %arg2[%dma_wait3A_44, %mul3A_2] : memref<2x320000xi32, #tpu.memory_space<hbm>> -> memref<1x10000xi32, #tpu.memory_space<hbm>>
    %dma_wait3A_48 = tpu.memref_squeeze %dma_wait3A_47 : memref<1x10000xi32, #tpu.memory_space<hbm>> -> memref<10000xi32, #tpu.memory_space<hbm>>
    tpu.wait_dma2 semaphore(%arg13 : memref<!tpu.dma_semaphore, #tpu.memory_space<semaphore_mem>>) src(%dma_wait3A_48 : memref<10000xi32, #tpu.memory_space<hbm>>) dst(%arg9 : memref<10000xi32, #tpu.memory_space<vmem>>)
    %dma_wait3A_49 = arith.constant 1 : i32
    %dma_wait3A_50 = tpu.memref_slice %arg2[%dma_wait3A_49, %mul3A_2] : memref<2x320000xi32, #tpu.memory_space<hbm>> -> memref<1x10000xi32, #tpu.memory_space<hbm>>
    %dma_wait3A_51 = tpu.memref_squeeze %dma_wait3A_50 : memref<1x10000xi32, #tpu.memory_space<hbm>> -> memref<10000xi32, #tpu.memory_space<hbm>>
    %dma_wait3A_52 = tpu.memref_slice %arg2[%dma_wait3A_49, %mul3A_2] : memref<2x320000xi32, #tpu.memory_space<hbm>> -> memref<1x10000xi32, #tpu.memory_space<hbm>>
    %dma_wait3A_53 = tpu.memref_squeeze %dma_wait3A_52 : memref<1x10000xi32, #tpu.memory_space<hbm>> -> memref<10000xi32, #tpu.memory_space<hbm>>
    tpu.wait_dma2 semaphore(%arg14 : memref<!tpu.dma_semaphore, #tpu.memory_space<semaphore_mem>>) src(%dma_wait3A_53 : memref<10000xi32, #tpu.memory_space<hbm>>) dst(%arg10 : memref<10000xi32, #tpu.memory_space<vmem>>)
    %scan3A_54 = arith.constant 0 : i32
    %scan3A_55 = arith.constant 625 : i32
    %scan3A_56 = arith.addi %scan3A_54, %scan3A_55 : i32
    %scan3A_57 = arith.constant 1 : i32
    scf.for %scan3A_69 = %scan3A_54 to %scan3A_56 step %scan3A_57  : i32 {
      %mul3A_70 = arith.constant 16 : i32
      %mul3A_71 = arith.muli %scan3A_69, %mul3A_70 : i32
      %get3A = arith.index_cast %mul3A_71 : i32 to index
      %get3A_72 = tpu.vector_load %arg9[%get3A] {strides = array<i32>} : memref<10000xi32, #tpu.memory_space<vmem>>, vector<16xi32>,
      %mul3A_73 = arith.constant 16 : i32
      %mul3A_74 = arith.muli %scan3A_69, %mul3A_73 : i32
      %get3A_75 = arith.index_cast %mul3A_74 : i32 to index
      %get3A_76 = tpu.vector_load %arg10[%get3A_75] {strides = array<i32>} : memref<10000xi32, #tpu.memory_space<vmem>>, vector<16xi32>,
      %gather3A = tpu.vector_load_idx %arg5[%get3A_72] : memref<10000xf32, #tpu.memory_space<vmem>>[vector<16xi32>], vector<16xf32>,
      %gather3A_77 = tpu.vector_load_idx %arg6[%get3A_72] : memref<10000xf32, #tpu.memory_space<vmem>>[vector<16xi32>], vector<16xf32>,
      tpu.vector_store_idx %arg7[%get3A_76], %gather3A {add = true} : memref<10000xf32, #tpu.memory_space<vmem>>[vector<16xi32>], vector<16xf32>,
      tpu.vector_store_idx %arg8[%get3A_76], %gather3A_77 {add = true} : memref<10000xf32, #tpu.memory_space<vmem>>[vector<16xi32>], vector<16xf32>,
    }
    %scan3A_58 = arith.constant 625 : i32
    %mul3A_59 = arith.constant 2 : i32
    %mul3A_60 = arith.muli %add3A, %mul3A_59 : i32
    %mul3A_61 = arith.constant 10000 : i32
    %mul3A_62 = arith.muli %mul3A_60, %mul3A_61 : i32
    "tpu.region"() ({
      %run_scoped3A = tpu.sem_alloc : memref<!tpu.dma_semaphore, #tpu.memory_space<semaphore_mem>>
      %dma_start3A_69 = tpu.memref_slice %arg4[%mul3A_62] : memref<640000xf32, #tpu.memory_space<hbm>> -> memref<10000xf32, #tpu.memory_space<hbm>>
      %dma_start3A_70 = tpu.memref_slice %arg4[%mul3A_62] : memref<640000xf32, #tpu.memory_space<hbm>> -> memref<10000xf32, #tpu.memory_space<hbm>>
      tpu.enqueue_dma source(%arg7 : memref<10000xf32, #tpu.memory_space<vmem>>) target(%dma_start3A_70 : memref<10000xf32, #tpu.memory_space<hbm>>) target_semaphore(%run_scoped3A : memref<!tpu.dma_semaphore, #tpu.memory_space<semaphore_mem>>)
      %dma_wait3A_71 = tpu.memref_slice %arg4[%mul3A_62] : memref<640000xf32, #tpu.memory_space<hbm>> -> memref<10000xf32, #tpu.memory_space<hbm>>
      %dma_wait3A_72 = tpu.memref_slice %arg4[%mul3A_62] : memref<640000xf32, #tpu.memory_space<hbm>> -> memref<10000xf32, #tpu.memory_space<hbm>>
      tpu.wait_dma2 semaphore(%run_scoped3A : memref<!tpu.dma_semaphore, #tpu.memory_space<semaphore_mem>>) src(%arg7 : memref<10000xf32, #tpu.memory_space<vmem>>) dst(%dma_wait3A_72 : memref<10000xf32, #tpu.memory_space<hbm>>)
      tpu.yield
    }) : () -> ()
    %mul3A_63 = arith.constant 2 : i32
    %mul3A_64 = arith.muli %add3A, %mul3A_63 : i32
    %add3A_65 = arith.constant 1 : i32
    %add3A_66 = arith.addi %mul3A_64, %add3A_65 : i32
    %mul3A_67 = arith.constant 10000 : i32
    %mul3A_68 = arith.muli %add3A_66, %mul3A_67 : i32
    "tpu.region"() ({
      %run_scoped3A = tpu.sem_alloc : memref<!tpu.dma_semaphore, #tpu.memory_space<semaphore_mem>>
      %dma_start3A_69 = tpu.memref_slice %arg4[%mul3A_68] : memref<640000xf32, #tpu.memory_space<hbm>> -> memref<10000xf32, #tpu.memory_space<hbm>>
      %dma_start3A_70 = tpu.memref_slice %arg4[%mul3A_68] : memref<640000xf32, #tpu.memory_space<hbm>> -> memref<10000xf32, #tpu.memory_space<hbm>>
      tpu.enqueue_dma source(%arg8 : memref<10000xf32, #tpu.memory_space<vmem>>) target(%dma_start3A_70 : memref<10000xf32, #tpu.memory_space<hbm>>) target_semaphore(%run_scoped3A : memref<!tpu.dma_semaphore, #tpu.memory_space<semaphore_mem>>)
      %dma_wait3A_71 = tpu.memref_slice %arg4[%mul3A_68] : memref<640000xf32, #tpu.memory_space<hbm>> -> memref<10000xf32, #tpu.memory_space<hbm>>
      %dma_wait3A_72 = tpu.memref_slice %arg4[%mul3A_68] : memref<640000xf32, #tpu.memory_space<hbm>> -> memref<10000xf32, #tpu.memory_space<hbm>>
      tpu.wait_dma2 semaphore(%run_scoped3A : memref<!tpu.dma_semaphore, #tpu.memory_space<semaphore_mem>>) src(%arg8 : memref<10000xf32, #tpu.memory_space<vmem>>) dst(%dma_wait3A_72 : memref<10000xf32, #tpu.memory_space<hbm>>)
      tpu.yield
    }) : () -> ()
    return
  }
}

#map = affine_map<(d0, d1) -> (0, 0, 0)>
#map1 = affine_map<(d0, d1) -> (0, 0)>
module attributes {stable_mosaic.version = 14 : i64} {
  func.func @_agg1_body(%arg0: i32, %arg1: i32, %arg2: memref<2x2560x125xi32, #tpu.memory_space<hbm>>, %arg3: memref<10240x64xf32, #tpu.memory_space<hbm>>, %arg4: memref<2x10240x64xf32, #tpu.memory_space<hbm>>, %arg5: memref<80x125xi32, #tpu.memory_space<vmem>>, %arg6: memref<80x125xi32, #tpu.memory_space<vmem>>, %arg7: memref<5x125x64xf32, #tpu.memory_space<vmem>>, %arg8: memref<128x64xf32, #tpu.memory_space<vmem>>, %arg9: memref<10240x64xf32, #tpu.memory_space<vmem_shared>>, %arg10: memref<!tpu.dma_semaphore, #tpu.memory_space<semaphore_mem>>, %arg11: memref<!tpu.dma_semaphore, #tpu.memory_space<semaphore_mem>>, %arg12: memref<!tpu.dma_semaphore, #tpu.memory_space<semaphore_mem>>, %arg13: memref<!tpu.dma_semaphore, #tpu.memory_space<semaphore_mem>>, %arg14: memref<!tpu.dma_semaphore, #tpu.memory_space<semaphore_mem>>, %arg15: memref<!tpu.dma_semaphore, #tpu.memory_space<semaphore_mem>>, %arg16: memref<!tpu.dma_semaphore, #tpu.memory_space<semaphore_mem>>, %arg17: memref<!tpu.dma_semaphore, #tpu.memory_space<semaphore_mem>>, %arg18: memref<!tpu.dma_semaphore, #tpu.memory_space<semaphore_mem>>, %arg19: memref<!tpu.dma_semaphore, #tpu.memory_space<semaphore_mem>>, %arg20: memref<!tpu.dma_semaphore, #tpu.memory_space<semaphore_mem>>, %arg21: memref<!tpu.dma_semaphore, #tpu.memory_space<semaphore_mem>>) attributes {dimension_semantics = [#tpu.dimension_semantics<core_parallel>, #tpu.dimension_semantics<subcore_parallel>], iteration_bounds = array<i64: 2, 16>, scalar_prefetch = 0 : i64, scratch_operands = 17 : i64, tpu.core_type = #tpu.core_type<sc_vector_subcore>, window_params = [{transform_indices = #map}, {transform_indices = #map1}, {transform_indices = #map}]} {
    %mul3A = arith.constant 16 : i32
    %mul3A_0 = arith.muli %arg0, %mul3A : i32
    %add3A = arith.addi %mul3A_0, %arg1 : i32
    %mul3A_1 = arith.constant 80 : i32
    %mul3A_2 = arith.muli %add3A, %mul3A_1 : i32
    %dma_start3A = arith.constant 0 : i32
    %dma_start3A_3 = arith.constant 0 : i32
    %dma_start3A_4 = tpu.memref_slice %arg2[%dma_start3A, %mul3A_2, %dma_start3A_3] : memref<2x2560x125xi32, #tpu.memory_space<hbm>> -> memref<1x80x125xi32, #tpu.memory_space<hbm>>
    %dma_start3A_5 = tpu.memref_squeeze %dma_start3A_4 : memref<1x80x125xi32, #tpu.memory_space<hbm>> -> memref<80x125xi32, #tpu.memory_space<hbm>>
    %dma_start3A_6 = arith.constant 0 : i32
    %dma_start3A_7 = tpu.memref_slice %arg2[%dma_start3A, %mul3A_2, %dma_start3A_6] : memref<2x2560x125xi32, #tpu.memory_space<hbm>> -> memref<1x80x125xi32, #tpu.memory_space<hbm>>
    %dma_start3A_8 = tpu.memref_squeeze %dma_start3A_7 : memref<1x80x125xi32, #tpu.memory_space<hbm>> -> memref<80x125xi32, #tpu.memory_space<hbm>>
    tpu.enqueue_dma source(%dma_start3A_8 : memref<80x125xi32, #tpu.memory_space<hbm>>) target(%arg5 : memref<80x125xi32, #tpu.memory_space<vmem>>) target_semaphore(%arg15 : memref<!tpu.dma_semaphore, #tpu.memory_space<semaphore_mem>>)
    %mul3A_9 = arith.constant 80 : i32
    %mul3A_10 = arith.muli %add3A, %mul3A_9 : i32
    %dma_start3A_11 = arith.constant 1 : i32
    %dma_start3A_12 = arith.constant 0 : i32
    %dma_start3A_13 = tpu.memref_slice %arg2[%dma_start3A_11, %mul3A_10, %dma_start3A_12] : memref<2x2560x125xi32, #tpu.memory_space<hbm>> -> memref<1x80x125xi32, #tpu.memory_space<hbm>>
    %dma_start3A_14 = tpu.memref_squeeze %dma_start3A_13 : memref<1x80x125xi32, #tpu.memory_space<hbm>> -> memref<80x125xi32, #tpu.memory_space<hbm>>
    %dma_start3A_15 = arith.constant 0 : i32
    %dma_start3A_16 = tpu.memref_slice %arg2[%dma_start3A_11, %mul3A_10, %dma_start3A_15] : memref<2x2560x125xi32, #tpu.memory_space<hbm>> -> memref<1x80x125xi32, #tpu.memory_space<hbm>>
    %dma_start3A_17 = tpu.memref_squeeze %dma_start3A_16 : memref<1x80x125xi32, #tpu.memory_space<hbm>> -> memref<80x125xi32, #tpu.memory_space<hbm>>
    tpu.enqueue_dma source(%dma_start3A_17 : memref<80x125xi32, #tpu.memory_space<hbm>>) target(%arg6 : memref<80x125xi32, #tpu.memory_space<vmem>>) target_semaphore(%arg16 : memref<!tpu.dma_semaphore, #tpu.memory_space<semaphore_mem>>)
    %broadcast_in_dim3A = arith.constant 0.000000e+00 : f32
    %broadcast_in_dim3A_18 = vector.broadcast %broadcast_in_dim3A : f32 to vector<16xf32>
    %scan3A = arith.constant 0 : i32
    %scan3A_19 = arith.constant 512 : i32
    %scan3A_20 = arith.addi %scan3A, %scan3A_19 : i32
    %scan3A_21 = arith.constant 1 : i32
    scf.for %scan3A_172 = %scan3A to %scan3A_20 step %scan3A_21  : i32 {
      %jit3A = arith.constant 4 : i32
      %div3A = arith.divsi %scan3A_172, %jit3A : i32
      %sign3A = arith.constant 0 : i32
      %sign3A_173 = arith.cmpi sgt, %scan3A_172, %sign3A : i32
      %sign3A_174 = arith.extui %sign3A_173 : i1 to i32
      %sign3A_175 = arith.constant 0 : i32
      %sign3A_176 = arith.cmpi slt, %scan3A_172, %sign3A_175 : i32
      %sign3A_177 = arith.extui %sign3A_176 : i1 to i32
      %sign3A_178 = arith.subi %sign3A_174, %sign3A_177 : i32
      %sign3A_179 = arith.constant 0 : i32
      %sign3A_180 = arith.cmpi sgt, %jit3A, %sign3A_179 : i32
      %sign3A_181 = arith.extui %sign3A_180 : i1 to i32
      %sign3A_182 = arith.constant 0 : i32
      %sign3A_183 = arith.cmpi slt, %jit3A, %sign3A_182 : i32
      %sign3A_184 = arith.extui %sign3A_183 : i1 to i32
      %sign3A_185 = arith.subi %sign3A_181, %sign3A_184 : i32
      %ne3A = arith.cmpi ne, %sign3A_178, %sign3A_185 : i32
      %rem3A = arith.remsi %scan3A_172, %jit3A : i32
      %ne3A_186 = arith.constant 0 : i32
      %ne3A_187 = arith.cmpi ne, %rem3A, %ne3A_186 : i32
      %and3A = arith.andi %ne3A, %ne3A_187 : i1
      %sub3A = arith.constant 1 : i32
      %sub3A_188 = arith.subi %div3A, %sub3A : i32
      %select_n3A = arith.select %and3A, %sub3A_188, %div3A : i32
      %jit3A_189 = arith.constant 4 : i32
      %eq3A = arith.constant 0 : i32
      %eq3A_190 = arith.cmpi eq, %jit3A_189, %eq3A : i32
      %jit3A_191 = arith.constant 1 : i32
      %select_n3A_192 = arith.select %eq3A_190, %jit3A_191, %jit3A_189 : i32
      %rem3A_193 = arith.remsi %scan3A_172, %select_n3A_192 : i32
      %ne3A_194 = arith.constant 0 : i32
      %ne3A_195 = arith.cmpi ne, %rem3A_193, %ne3A_194 : i32
      %lt3A = arith.constant 0 : i32
      %lt3A_196 = arith.cmpi slt, %rem3A_193, %lt3A : i32
      %lt3A_197 = arith.constant 0 : i32
      %lt3A_198 = arith.cmpi slt, %select_n3A_192, %lt3A_197 : i32
      %ne3A_199 = arith.xori %lt3A_196, %lt3A_198 : i1
      %and3A_200 = arith.andi %ne3A_199, %ne3A_195 : i1
      %add3A_201 = arith.addi %rem3A_193, %select_n3A_192 : i32
      %select_n3A_202 = arith.select %and3A_200, %add3A_201, %rem3A_193 : i32
      %mul3A_203 = arith.constant 16 : i32
      %mul3A_204 = arith.muli %select_n3A_202, %mul3A_203 : i32
      %swap3A = arith.index_cast %select_n3A : i32 to index
      %swap3A_205 = arith.index_cast %mul3A_204 : i32 to index
      %swap3A_206 = tpu.vector_load %arg8[%swap3A, %swap3A_205] {strides = array<i32>} : memref<128x64xf32, #tpu.memory_space<vmem>>, vector<16xf32>,
      tpu.vector_store %arg8[%swap3A, %swap3A_205], %broadcast_in_dim3A_18 {strides = array<i32>} : memref<128x64xf32, #tpu.memory_space<vmem>>, vector<16xf32>,
    }
    %scan3A_22 = arith.constant 512 : i32
    %scan3A_23 = arith.constant 0 : i32
    %scan3A_24 = arith.constant 5 : i32
    %scan3A_25 = arith.addi %scan3A_23, %scan3A_24 : i32
    %scan3A_26 = arith.constant 1 : i32
    scf.for %scan3A_172 = %scan3A_23 to %scan3A_25 step %scan3A_26  : i32 {
      %mul3A_173 = arith.constant 640 : i32
      %mul3A_174 = arith.muli %arg1, %mul3A_173 : i32
      %mul3A_175 = arith.constant 128 : i32
      %mul3A_176 = arith.muli %scan3A_172, %mul3A_175 : i32
      %add3A_177 = arith.addi %mul3A_174, %mul3A_176 : i32
      "tpu.region"() ({
        %run_scoped3A = tpu.sem_alloc : memref<!tpu.dma_semaphore, #tpu.memory_space<semaphore_mem>>
        %dma_start3A_178 = arith.constant 0 : i32
        %dma_start3A_179 = tpu.memref_slice %arg9[%add3A_177, %dma_start3A_178] : memref<10240x64xf32, #tpu.memory_space<vmem_shared>> -> memref<128x64xf32, #tpu.memory_space<vmem_shared>>
        %dma_start3A_180 = arith.constant 0 : i32
        %dma_start3A_181 = tpu.memref_slice %arg9[%add3A_177, %dma_start3A_180] : memref<10240x64xf32, #tpu.memory_space<vmem_shared>> -> memref<128x64xf32, #tpu.memory_space<vmem_shared>>
        tpu.enqueue_dma source(%arg8 : memref<128x64xf32, #tpu.memory_space<vmem>>) target(%dma_start3A_181 : memref<128x64xf32, #tpu.memory_space<vmem_shared>>) target_semaphore(%run_scoped3A : memref<!tpu.dma_semaphore, #tpu.memory_space<semaphore_mem>>)
        %dma_wait3A_182 = arith.constant 0 : i32
        %dma_wait3A_183 = tpu.memref_slice %arg9[%add3A_177, %dma_wait3A_182] : memref<10240x64xf32, #tpu.memory_space<vmem_shared>> -> memref<128x64xf32, #tpu.memory_space<vmem_shared>>
        %dma_wait3A_184 = arith.constant 0 : i32
        %dma_wait3A_185 = tpu.memref_slice %arg9[%add3A_177, %dma_wait3A_184] : memref<10240x64xf32, #tpu.memory_space<vmem_shared>> -> memref<128x64xf32, #tpu.memory_space<vmem_shared>>
        tpu.wait_dma2 semaphore(%run_scoped3A : memref<!tpu.dma_semaphore, #tpu.memory_space<semaphore_mem>>) src(%arg8 : memref<128x64xf32, #tpu.memory_space<vmem>>) dst(%dma_wait3A_185 : memref<128x64xf32, #tpu.memory_space<vmem_shared>>)
        tpu.yield
      }) : () -> ()
    }
    %scan3A_27 = arith.constant 5 : i32
    %dma_wait3A = arith.constant 0 : i32
    %dma_wait3A_28 = arith.constant 0 : i32
    %dma_wait3A_29 = tpu.memref_slice %arg2[%dma_wait3A, %mul3A_2, %dma_wait3A_28] : memref<2x2560x125xi32, #tpu.memory_space<hbm>> -> memref<1x80x125xi32, #tpu.memory_space<hbm>>
    %dma_wait3A_30 = tpu.memref_squeeze %dma_wait3A_29 : memref<1x80x125xi32, #tpu.memory_space<hbm>> -> memref<80x125xi32, #tpu.memory_space<hbm>>
    %dma_wait3A_31 = arith.constant 0 : i32
    %dma_wait3A_32 = tpu.memref_slice %arg2[%dma_wait3A, %mul3A_2, %dma_wait3A_31] : memref<2x2560x125xi32, #tpu.memory_space<hbm>> -> memref<1x80x125xi32, #tpu.memory_space<hbm>>
    %dma_wait3A_33 = tpu.memref_squeeze %dma_wait3A_32 : memref<1x80x125xi32, #tpu.memory_space<hbm>> -> memref<80x125xi32, #tpu.memory_space<hbm>>
    tpu.wait_dma2 semaphore(%arg15 : memref<!tpu.dma_semaphore, #tpu.memory_space<semaphore_mem>>) src(%dma_wait3A_33 : memref<80x125xi32, #tpu.memory_space<hbm>>) dst(%arg5 : memref<80x125xi32, #tpu.memory_space<vmem>>)
    %dma_wait3A_34 = arith.constant 1 : i32
    %dma_wait3A_35 = arith.constant 0 : i32
    %dma_wait3A_36 = tpu.memref_slice %arg2[%dma_wait3A_34, %mul3A_10, %dma_wait3A_35] : memref<2x2560x125xi32, #tpu.memory_space<hbm>> -> memref<1x80x125xi32, #tpu.memory_space<hbm>>
    %dma_wait3A_37 = tpu.memref_squeeze %dma_wait3A_36 : memref<1x80x125xi32, #tpu.memory_space<hbm>> -> memref<80x125xi32, #tpu.memory_space<hbm>>
    %dma_wait3A_38 = arith.constant 0 : i32
    %dma_wait3A_39 = tpu.memref_slice %arg2[%dma_wait3A_34, %mul3A_10, %dma_wait3A_38] : memref<2x2560x125xi32, #tpu.memory_space<hbm>> -> memref<1x80x125xi32, #tpu.memory_space<hbm>>
    %dma_wait3A_40 = tpu.memref_squeeze %dma_wait3A_39 : memref<1x80x125xi32, #tpu.memory_space<hbm>> -> memref<80x125xi32, #tpu.memory_space<hbm>>
    tpu.wait_dma2 semaphore(%arg16 : memref<!tpu.dma_semaphore, #tpu.memory_space<semaphore_mem>>) src(%dma_wait3A_40 : memref<80x125xi32, #tpu.memory_space<hbm>>) dst(%arg6 : memref<80x125xi32, #tpu.memory_space<vmem>>)
    %barrier3A = arith.constant 0 : index
    tpu.barrier barrier_id(%barrier3A)
    %dma_start3A_41 = arith.constant 0 : i32
    %dma_start3A_42 = arith.constant 0 : i32
    %dma_start3A_43 = arith.constant 0 : i32
    %dma_start3A_44 = arith.constant 0 : i32
    %dma_start3A_45 = tpu.memref_slice %arg7[%dma_start3A_42, %dma_start3A_43, %dma_start3A_44] : memref<5x125x64xf32, #tpu.memory_space<vmem>> -> memref<1x125x64xf32, #tpu.memory_space<vmem>>
    %dma_start3A_46 = tpu.memref_squeeze %dma_start3A_45 : memref<1x125x64xf32, #tpu.memory_space<vmem>> -> memref<125x64xf32, #tpu.memory_space<vmem>>
    %dma_start3A_47 = arith.constant 0 : i32
    %dma_start3A_48 = tpu.memref_slice %arg5[%dma_start3A_41, %dma_start3A_47] : memref<80x125xi32, #tpu.memory_space<vmem>> -> memref<1x125xi32, #tpu.memory_space<vmem>>
    %dma_start3A_49 = tpu.memref_squeeze %dma_start3A_48 : memref<1x125xi32, #tpu.memory_space<vmem>> -> memref<125xi32, #tpu.memory_space<vmem>>
    %dma_start3A_50 = arith.constant 0 : i32
    %dma_start3A_51 = arith.constant 0 : i32
    %dma_start3A_52 = tpu.memref_slice %arg3[%dma_start3A_50, %dma_start3A_51] : memref<10240x64xf32, #tpu.memory_space<hbm>> -> memref<10240x64xf32, #tpu.memory_space<hbm>>
    tpu.enqueue_indirect_dma source(%dma_start3A_52 : memref<10240x64xf32, #tpu.memory_space<hbm>>) target(%dma_start3A_46 : memref<125x64xf32, #tpu.memory_space<vmem>>) offsets(%dma_start3A_49 : memref<125xi32, #tpu.memory_space<vmem>>) semaphore(%arg10 : memref<!tpu.dma_semaphore, #tpu.memory_space<semaphore_mem>>)
    %dma_start3A_53 = arith.constant 1 : i32
    %dma_start3A_54 = arith.constant 1 : i32
    %dma_start3A_55 = arith.constant 0 : i32
    %dma_start3A_56 = arith.constant 0 : i32
    %dma_start3A_57 = tpu.memref_slice %arg7[%dma_start3A_54, %dma_start3A_55, %dma_start3A_56] : memref<5x125x64xf32, #tpu.memory_space<vmem>> -> memref<1x125x64xf32, #tpu.memory_space<vmem>>
    %dma_start3A_58 = tpu.memref_squeeze %dma_start3A_57 : memref<1x125x64xf32, #tpu.memory_space<vmem>> -> memref<125x64xf32, #tpu.memory_space<vmem>>
    %dma_start3A_59 = arith.constant 0 : i32
    %dma_start3A_60 = tpu.memref_slice %arg5[%dma_start3A_53, %dma_start3A_59] : memref<80x125xi32, #tpu.memory_space<vmem>> -> memref<1x125xi32, #tpu.memory_space<vmem>>
    %dma_start3A_61 = tpu.memref_squeeze %dma_start3A_60 : memref<1x125xi32, #tpu.memory_space<vmem>> -> memref<125xi32, #tpu.memory_space<vmem>>
    %dma_start3A_62 = arith.constant 0 : i32
    %dma_start3A_63 = arith.constant 0 : i32
    %dma_start3A_64 = tpu.memref_slice %arg3[%dma_start3A_62, %dma_start3A_63] : memref<10240x64xf32, #tpu.memory_space<hbm>> -> memref<10240x64xf32, #tpu.memory_space<hbm>>
    tpu.enqueue_indirect_dma source(%dma_start3A_64 : memref<10240x64xf32, #tpu.memory_space<hbm>>) target(%dma_start3A_58 : memref<125x64xf32, #tpu.memory_space<vmem>>) offsets(%dma_start3A_61 : memref<125xi32, #tpu.memory_space<vmem>>) semaphore(%arg11 : memref<!tpu.dma_semaphore, #tpu.memory_space<semaphore_mem>>)
    %dma_start3A_65 = arith.constant 2 : i32
    %dma_start3A_66 = arith.constant 2 : i32
    %dma_start3A_67 = arith.constant 0 : i32
    %dma_start3A_68 = arith.constant 0 : i32
    %dma_start3A_69 = tpu.memref_slice %arg7[%dma_start3A_66, %dma_start3A_67, %dma_start3A_68] : memref<5x125x64xf32, #tpu.memory_space<vmem>> -> memref<1x125x64xf32, #tpu.memory_space<vmem>>
    %dma_start3A_70 = tpu.memref_squeeze %dma_start3A_69 : memref<1x125x64xf32, #tpu.memory_space<vmem>> -> memref<125x64xf32, #tpu.memory_space<vmem>>
    %dma_start3A_71 = arith.constant 0 : i32
    %dma_start3A_72 = tpu.memref_slice %arg5[%dma_start3A_65, %dma_start3A_71] : memref<80x125xi32, #tpu.memory_space<vmem>> -> memref<1x125xi32, #tpu.memory_space<vmem>>
    %dma_start3A_73 = tpu.memref_squeeze %dma_start3A_72 : memref<1x125xi32, #tpu.memory_space<vmem>> -> memref<125xi32, #tpu.memory_space<vmem>>
    %dma_start3A_74 = arith.constant 0 : i32
    %dma_start3A_75 = arith.constant 0 : i32
    %dma_start3A_76 = tpu.memref_slice %arg3[%dma_start3A_74, %dma_start3A_75] : memref<10240x64xf32, #tpu.memory_space<hbm>> -> memref<10240x64xf32, #tpu.memory_space<hbm>>
    tpu.enqueue_indirect_dma source(%dma_start3A_76 : memref<10240x64xf32, #tpu.memory_space<hbm>>) target(%dma_start3A_70 : memref<125x64xf32, #tpu.memory_space<vmem>>) offsets(%dma_start3A_73 : memref<125xi32, #tpu.memory_space<vmem>>) semaphore(%arg12 : memref<!tpu.dma_semaphore, #tpu.memory_space<semaphore_mem>>)
    %dma_start3A_77 = arith.constant 3 : i32
    %dma_start3A_78 = arith.constant 3 : i32
    %dma_start3A_79 = arith.constant 0 : i32
    %dma_start3A_80 = arith.constant 0 : i32
    %dma_start3A_81 = tpu.memref_slice %arg7[%dma_start3A_78, %dma_start3A_79, %dma_start3A_80] : memref<5x125x64xf32, #tpu.memory_space<vmem>> -> memref<1x125x64xf32, #tpu.memory_space<vmem>>
    %dma_start3A_82 = tpu.memref_squeeze %dma_start3A_81 : memref<1x125x64xf32, #tpu.memory_space<vmem>> -> memref<125x64xf32, #tpu.memory_space<vmem>>
    %dma_start3A_83 = arith.constant 0 : i32
    %dma_start3A_84 = tpu.memref_slice %arg5[%dma_start3A_77, %dma_start3A_83] : memref<80x125xi32, #tpu.memory_space<vmem>> -> memref<1x125xi32, #tpu.memory_space<vmem>>
    %dma_start3A_85 = tpu.memref_squeeze %dma_start3A_84 : memref<1x125xi32, #tpu.memory_space<vmem>> -> memref<125xi32, #tpu.memory_space<vmem>>
    %dma_start3A_86 = arith.constant 0 : i32
    %dma_start3A_87 = arith.constant 0 : i32
    %dma_start3A_88 = tpu.memref_slice %arg3[%dma_start3A_86, %dma_start3A_87] : memref<10240x64xf32, #tpu.memory_space<hbm>> -> memref<10240x64xf32, #tpu.memory_space<hbm>>
    tpu.enqueue_indirect_dma source(%dma_start3A_88 : memref<10240x64xf32, #tpu.memory_space<hbm>>) target(%dma_start3A_82 : memref<125x64xf32, #tpu.memory_space<vmem>>) offsets(%dma_start3A_85 : memref<125xi32, #tpu.memory_space<vmem>>) semaphore(%arg13 : memref<!tpu.dma_semaphore, #tpu.memory_space<semaphore_mem>>)
    %dma_start3A_89 = arith.constant 4 : i32
    %dma_start3A_90 = arith.constant 4 : i32
    %dma_start3A_91 = arith.constant 0 : i32
    %dma_start3A_92 = arith.constant 0 : i32
    %dma_start3A_93 = tpu.memref_slice %arg7[%dma_start3A_90, %dma_start3A_91, %dma_start3A_92] : memref<5x125x64xf32, #tpu.memory_space<vmem>> -> memref<1x125x64xf32, #tpu.memory_space<vmem>>
    %dma_start3A_94 = tpu.memref_squeeze %dma_start3A_93 : memref<1x125x64xf32, #tpu.memory_space<vmem>> -> memref<125x64xf32, #tpu.memory_space<vmem>>
    %dma_start3A_95 = arith.constant 0 : i32
    %dma_start3A_96 = tpu.memref_slice %arg5[%dma_start3A_89, %dma_start3A_95] : memref<80x125xi32, #tpu.memory_space<vmem>> -> memref<1x125xi32, #tpu.memory_space<vmem>>
    %dma_start3A_97 = tpu.memref_squeeze %dma_start3A_96 : memref<1x125xi32, #tpu.memory_space<vmem>> -> memref<125xi32, #tpu.memory_space<vmem>>
    %dma_start3A_98 = arith.constant 0 : i32
    %dma_start3A_99 = arith.constant 0 : i32
    %dma_start3A_100 = tpu.memref_slice %arg3[%dma_start3A_98, %dma_start3A_99] : memref<10240x64xf32, #tpu.memory_space<hbm>> -> memref<10240x64xf32, #tpu.memory_space<hbm>>
    tpu.enqueue_indirect_dma source(%dma_start3A_100 : memref<10240x64xf32, #tpu.memory_space<hbm>>) target(%dma_start3A_94 : memref<125x64xf32, #tpu.memory_space<vmem>>) offsets(%dma_start3A_97 : memref<125xi32, #tpu.memory_space<vmem>>) semaphore(%arg14 : memref<!tpu.dma_semaphore, #tpu.memory_space<semaphore_mem>>)
    %scan3A_101 = arith.constant 0 : i32
    %scan3A_102 = arith.constant 16 : i32
    %scan3A_103 = arith.addi %scan3A_101, %scan3A_102 : i32
    %scan3A_104 = arith.constant 1 : i32
    scf.for %scan3A_172 = %scan3A_101 to %scan3A_103 step %scan3A_104  : i32 {
      %mul3A_173 = arith.constant 5 : i32
      %mul3A_174 = arith.muli %scan3A_172, %mul3A_173 : i32
      %add3A_175 = arith.constant 0 : i32
      %add3A_176 = arith.addi %mul3A_174, %add3A_175 : i32
      %dma_wait3A_177 = arith.constant 0 : i32
      %dma_wait3A_178 = arith.constant 0 : i32
      %dma_wait3A_179 = arith.constant 0 : i32
      %dma_wait3A_180 = tpu.memref_slice %arg7[%dma_wait3A_177, %dma_wait3A_178, %dma_wait3A_179] : memref<5x125x64xf32, #tpu.memory_space<vmem>> -> memref<1x125x64xf32, #tpu.memory_space<vmem>>
      %dma_wait3A_181 = tpu.memref_squeeze %dma_wait3A_180 : memref<1x125x64xf32, #tpu.memory_space<vmem>> -> memref<125x64xf32, #tpu.memory_space<vmem>>
      %dma_wait3A_182 = arith.constant 0 : i32
      %dma_wait3A_183 = tpu.memref_slice %arg5[%add3A_176, %dma_wait3A_182] : memref<80x125xi32, #tpu.memory_space<vmem>> -> memref<1x125xi32, #tpu.memory_space<vmem>>
      %dma_wait3A_184 = tpu.memref_squeeze %dma_wait3A_183 : memref<1x125xi32, #tpu.memory_space<vmem>> -> memref<125xi32, #tpu.memory_space<vmem>>
      %dma_wait3A_185 = arith.constant 0 : i32
      %dma_wait3A_186 = arith.constant 0 : i32
      %dma_wait3A_187 = tpu.memref_slice %arg3[%dma_wait3A_185, %dma_wait3A_186] : memref<10240x64xf32, #tpu.memory_space<hbm>> -> memref<10240x64xf32, #tpu.memory_space<hbm>>
      tpu.wait_indirect_dma semaphore(%arg10 : memref<!tpu.dma_semaphore, #tpu.memory_space<semaphore_mem>>) src(%dma_wait3A_187 : memref<10240x64xf32, #tpu.memory_space<hbm>>) dst(%dma_wait3A_181 : memref<125x64xf32, #tpu.memory_space<vmem>>)
      %dma_start3A_188 = arith.constant 0 : i32
      %dma_start3A_189 = arith.constant 0 : i32
      %dma_start3A_190 = arith.constant 0 : i32
      %dma_start3A_191 = tpu.memref_slice %arg7[%dma_start3A_188, %dma_start3A_189, %dma_start3A_190] : memref<5x125x64xf32, #tpu.memory_space<vmem>> -> memref<1x125x64xf32, #tpu.memory_space<vmem>>
      %dma_start3A_192 = tpu.memref_squeeze %dma_start3A_191 : memref<1x125x64xf32, #tpu.memory_space<vmem>> -> memref<125x64xf32, #tpu.memory_space<vmem>>
      %dma_start3A_193 = arith.constant 0 : i32
      %dma_start3A_194 = tpu.memref_slice %arg6[%add3A_176, %dma_start3A_193] : memref<80x125xi32, #tpu.memory_space<vmem>> -> memref<1x125xi32, #tpu.memory_space<vmem>>
      %dma_start3A_195 = tpu.memref_squeeze %dma_start3A_194 : memref<1x125xi32, #tpu.memory_space<vmem>> -> memref<125xi32, #tpu.memory_space<vmem>>
      %dma_start3A_196 = arith.constant 0 : i32
      %dma_start3A_197 = arith.constant 0 : i32
      %dma_start3A_198 = tpu.memref_slice %arg9[%dma_start3A_196, %dma_start3A_197] : memref<10240x64xf32, #tpu.memory_space<vmem_shared>> -> memref<10240x64xf32, #tpu.memory_space<vmem_shared>>
      tpu.enqueue_indirect_dma source(%dma_start3A_192 : memref<125x64xf32, #tpu.memory_space<vmem>>) target(%dma_start3A_198 : memref<10240x64xf32, #tpu.memory_space<vmem_shared>>) offsets(%dma_start3A_195 : memref<125xi32, #tpu.memory_space<vmem>>) semaphore(%arg17 : memref<!tpu.dma_semaphore, #tpu.memory_space<semaphore_mem>>) {add = true}
      %mul3A_199 = arith.constant 5 : i32
      %mul3A_200 = arith.muli %scan3A_172, %mul3A_199 : i32
      %add3A_201 = arith.constant 1 : i32
      %add3A_202 = arith.addi %mul3A_200, %add3A_201 : i32
      %dma_wait3A_203 = arith.constant 1 : i32
      %dma_wait3A_204 = arith.constant 0 : i32
      %dma_wait3A_205 = arith.constant 0 : i32
      %dma_wait3A_206 = tpu.memref_slice %arg7[%dma_wait3A_203, %dma_wait3A_204, %dma_wait3A_205] : memref<5x125x64xf32, #tpu.memory_space<vmem>> -> memref<1x125x64xf32, #tpu.memory_space<vmem>>
      %dma_wait3A_207 = tpu.memref_squeeze %dma_wait3A_206 : memref<1x125x64xf32, #tpu.memory_space<vmem>> -> memref<125x64xf32, #tpu.memory_space<vmem>>
      %dma_wait3A_208 = arith.constant 0 : i32
      %dma_wait3A_209 = tpu.memref_slice %arg5[%add3A_202, %dma_wait3A_208] : memref<80x125xi32, #tpu.memory_space<vmem>> -> memref<1x125xi32, #tpu.memory_space<vmem>>
      %dma_wait3A_210 = tpu.memref_squeeze %dma_wait3A_209 : memref<1x125xi32, #tpu.memory_space<vmem>> -> memref<125xi32, #tpu.memory_space<vmem>>
      %dma_wait3A_211 = arith.constant 0 : i32
      %dma_wait3A_212 = arith.constant 0 : i32
      %dma_wait3A_213 = tpu.memref_slice %arg3[%dma_wait3A_211, %dma_wait3A_212] : memref<10240x64xf32, #tpu.memory_space<hbm>> -> memref<10240x64xf32, #tpu.memory_space<hbm>>
      tpu.wait_indirect_dma semaphore(%arg11 : memref<!tpu.dma_semaphore, #tpu.memory_space<semaphore_mem>>) src(%dma_wait3A_213 : memref<10240x64xf32, #tpu.memory_space<hbm>>) dst(%dma_wait3A_207 : memref<125x64xf32, #tpu.memory_space<vmem>>)
      %dma_start3A_214 = arith.constant 1 : i32
      %dma_start3A_215 = arith.constant 0 : i32
      %dma_start3A_216 = arith.constant 0 : i32
      %dma_start3A_217 = tpu.memref_slice %arg7[%dma_start3A_214, %dma_start3A_215, %dma_start3A_216] : memref<5x125x64xf32, #tpu.memory_space<vmem>> -> memref<1x125x64xf32, #tpu.memory_space<vmem>>
      %dma_start3A_218 = tpu.memref_squeeze %dma_start3A_217 : memref<1x125x64xf32, #tpu.memory_space<vmem>> -> memref<125x64xf32, #tpu.memory_space<vmem>>
      %dma_start3A_219 = arith.constant 0 : i32
      %dma_start3A_220 = tpu.memref_slice %arg6[%add3A_202, %dma_start3A_219] : memref<80x125xi32, #tpu.memory_space<vmem>> -> memref<1x125xi32, #tpu.memory_space<vmem>>
      %dma_start3A_221 = tpu.memref_squeeze %dma_start3A_220 : memref<1x125xi32, #tpu.memory_space<vmem>> -> memref<125xi32, #tpu.memory_space<vmem>>
      %dma_start3A_222 = arith.constant 0 : i32
      %dma_start3A_223 = arith.constant 0 : i32
      %dma_start3A_224 = tpu.memref_slice %arg9[%dma_start3A_222, %dma_start3A_223] : memref<10240x64xf32, #tpu.memory_space<vmem_shared>> -> memref<10240x64xf32, #tpu.memory_space<vmem_shared>>
      tpu.enqueue_indirect_dma source(%dma_start3A_218 : memref<125x64xf32, #tpu.memory_space<vmem>>) target(%dma_start3A_224 : memref<10240x64xf32, #tpu.memory_space<vmem_shared>>) offsets(%dma_start3A_221 : memref<125xi32, #tpu.memory_space<vmem>>) semaphore(%arg18 : memref<!tpu.dma_semaphore, #tpu.memory_space<semaphore_mem>>) {add = true}
      %mul3A_225 = arith.constant 5 : i32
      %mul3A_226 = arith.muli %scan3A_172, %mul3A_225 : i32
      %add3A_227 = arith.constant 2 : i32
      %add3A_228 = arith.addi %mul3A_226, %add3A_227 : i32
      %dma_wait3A_229 = arith.constant 2 : i32
      %dma_wait3A_230 = arith.constant 0 : i32
      %dma_wait3A_231 = arith.constant 0 : i32
      %dma_wait3A_232 = tpu.memref_slice %arg7[%dma_wait3A_229, %dma_wait3A_230, %dma_wait3A_231] : memref<5x125x64xf32, #tpu.memory_space<vmem>> -> memref<1x125x64xf32, #tpu.memory_space<vmem>>
      %dma_wait3A_233 = tpu.memref_squeeze %dma_wait3A_232 : memref<1x125x64xf32, #tpu.memory_space<vmem>> -> memref<125x64xf32, #tpu.memory_space<vmem>>
      %dma_wait3A_234 = arith.constant 0 : i32
      %dma_wait3A_235 = tpu.memref_slice %arg5[%add3A_228, %dma_wait3A_234] : memref<80x125xi32, #tpu.memory_space<vmem>> -> memref<1x125xi32, #tpu.memory_space<vmem>>
      %dma_wait3A_236 = tpu.memref_squeeze %dma_wait3A_235 : memref<1x125xi32, #tpu.memory_space<vmem>> -> memref<125xi32, #tpu.memory_space<vmem>>
      %dma_wait3A_237 = arith.constant 0 : i32
      %dma_wait3A_238 = arith.constant 0 : i32
      %dma_wait3A_239 = tpu.memref_slice %arg3[%dma_wait3A_237, %dma_wait3A_238] : memref<10240x64xf32, #tpu.memory_space<hbm>> -> memref<10240x64xf32, #tpu.memory_space<hbm>>
      tpu.wait_indirect_dma semaphore(%arg12 : memref<!tpu.dma_semaphore, #tpu.memory_space<semaphore_mem>>) src(%dma_wait3A_239 : memref<10240x64xf32, #tpu.memory_space<hbm>>) dst(%dma_wait3A_233 : memref<125x64xf32, #tpu.memory_space<vmem>>)
      %dma_start3A_240 = arith.constant 2 : i32
      %dma_start3A_241 = arith.constant 0 : i32
      %dma_start3A_242 = arith.constant 0 : i32
      %dma_start3A_243 = tpu.memref_slice %arg7[%dma_start3A_240, %dma_start3A_241, %dma_start3A_242] : memref<5x125x64xf32, #tpu.memory_space<vmem>> -> memref<1x125x64xf32, #tpu.memory_space<vmem>>
      %dma_start3A_244 = tpu.memref_squeeze %dma_start3A_243 : memref<1x125x64xf32, #tpu.memory_space<vmem>> -> memref<125x64xf32, #tpu.memory_space<vmem>>
      %dma_start3A_245 = arith.constant 0 : i32
      %dma_start3A_246 = tpu.memref_slice %arg6[%add3A_228, %dma_start3A_245] : memref<80x125xi32, #tpu.memory_space<vmem>> -> memref<1x125xi32, #tpu.memory_space<vmem>>
      %dma_start3A_247 = tpu.memref_squeeze %dma_start3A_246 : memref<1x125xi32, #tpu.memory_space<vmem>> -> memref<125xi32, #tpu.memory_space<vmem>>
      %dma_start3A_248 = arith.constant 0 : i32
      %dma_start3A_249 = arith.constant 0 : i32
      %dma_start3A_250 = tpu.memref_slice %arg9[%dma_start3A_248, %dma_start3A_249] : memref<10240x64xf32, #tpu.memory_space<vmem_shared>> -> memref<10240x64xf32, #tpu.memory_space<vmem_shared>>
      tpu.enqueue_indirect_dma source(%dma_start3A_244 : memref<125x64xf32, #tpu.memory_space<vmem>>) target(%dma_start3A_250 : memref<10240x64xf32, #tpu.memory_space<vmem_shared>>) offsets(%dma_start3A_247 : memref<125xi32, #tpu.memory_space<vmem>>) semaphore(%arg19 : memref<!tpu.dma_semaphore, #tpu.memory_space<semaphore_mem>>) {add = true}
      %mul3A_251 = arith.constant 5 : i32
      %mul3A_252 = arith.muli %scan3A_172, %mul3A_251 : i32
      %add3A_253 = arith.constant 3 : i32
      %add3A_254 = arith.addi %mul3A_252, %add3A_253 : i32
      %dma_wait3A_255 = arith.constant 3 : i32
      %dma_wait3A_256 = arith.constant 0 : i32
      %dma_wait3A_257 = arith.constant 0 : i32
      %dma_wait3A_258 = tpu.memref_slice %arg7[%dma_wait3A_255, %dma_wait3A_256, %dma_wait3A_257] : memref<5x125x64xf32, #tpu.memory_space<vmem>> -> memref<1x125x64xf32, #tpu.memory_space<vmem>>
      %dma_wait3A_259 = tpu.memref_squeeze %dma_wait3A_258 : memref<1x125x64xf32, #tpu.memory_space<vmem>> -> memref<125x64xf32, #tpu.memory_space<vmem>>
      %dma_wait3A_260 = arith.constant 0 : i32
      %dma_wait3A_261 = tpu.memref_slice %arg5[%add3A_254, %dma_wait3A_260] : memref<80x125xi32, #tpu.memory_space<vmem>> -> memref<1x125xi32, #tpu.memory_space<vmem>>
      %dma_wait3A_262 = tpu.memref_squeeze %dma_wait3A_261 : memref<1x125xi32, #tpu.memory_space<vmem>> -> memref<125xi32, #tpu.memory_space<vmem>>
      %dma_wait3A_263 = arith.constant 0 : i32
      %dma_wait3A_264 = arith.constant 0 : i32
      %dma_wait3A_265 = tpu.memref_slice %arg3[%dma_wait3A_263, %dma_wait3A_264] : memref<10240x64xf32, #tpu.memory_space<hbm>> -> memref<10240x64xf32, #tpu.memory_space<hbm>>
      tpu.wait_indirect_dma semaphore(%arg13 : memref<!tpu.dma_semaphore, #tpu.memory_space<semaphore_mem>>) src(%dma_wait3A_265 : memref<10240x64xf32, #tpu.memory_space<hbm>>) dst(%dma_wait3A_259 : memref<125x64xf32, #tpu.memory_space<vmem>>)
      %dma_start3A_266 = arith.constant 3 : i32
      %dma_start3A_267 = arith.constant 0 : i32
      %dma_start3A_268 = arith.constant 0 : i32
      %dma_start3A_269 = tpu.memref_slice %arg7[%dma_start3A_266, %dma_start3A_267, %dma_start3A_268] : memref<5x125x64xf32, #tpu.memory_space<vmem>> -> memref<1x125x64xf32, #tpu.memory_space<vmem>>
      %dma_start3A_270 = tpu.memref_squeeze %dma_start3A_269 : memref<1x125x64xf32, #tpu.memory_space<vmem>> -> memref<125x64xf32, #tpu.memory_space<vmem>>
      %dma_start3A_271 = arith.constant 0 : i32
      %dma_start3A_272 = tpu.memref_slice %arg6[%add3A_254, %dma_start3A_271] : memref<80x125xi32, #tpu.memory_space<vmem>> -> memref<1x125xi32, #tpu.memory_space<vmem>>
      %dma_start3A_273 = tpu.memref_squeeze %dma_start3A_272 : memref<1x125xi32, #tpu.memory_space<vmem>> -> memref<125xi32, #tpu.memory_space<vmem>>
      %dma_start3A_274 = arith.constant 0 : i32
      %dma_start3A_275 = arith.constant 0 : i32
      %dma_start3A_276 = tpu.memref_slice %arg9[%dma_start3A_274, %dma_start3A_275] : memref<10240x64xf32, #tpu.memory_space<vmem_shared>> -> memref<10240x64xf32, #tpu.memory_space<vmem_shared>>
      tpu.enqueue_indirect_dma source(%dma_start3A_270 : memref<125x64xf32, #tpu.memory_space<vmem>>) target(%dma_start3A_276 : memref<10240x64xf32, #tpu.memory_space<vmem_shared>>) offsets(%dma_start3A_273 : memref<125xi32, #tpu.memory_space<vmem>>) semaphore(%arg20 : memref<!tpu.dma_semaphore, #tpu.memory_space<semaphore_mem>>) {add = true}
      %mul3A_277 = arith.constant 5 : i32
      %mul3A_278 = arith.muli %scan3A_172, %mul3A_277 : i32
      %add3A_279 = arith.constant 4 : i32
      %add3A_280 = arith.addi %mul3A_278, %add3A_279 : i32
      %dma_wait3A_281 = arith.constant 4 : i32
      %dma_wait3A_282 = arith.constant 0 : i32
      %dma_wait3A_283 = arith.constant 0 : i32
      %dma_wait3A_284 = tpu.memref_slice %arg7[%dma_wait3A_281, %dma_wait3A_282, %dma_wait3A_283] : memref<5x125x64xf32, #tpu.memory_space<vmem>> -> memref<1x125x64xf32, #tpu.memory_space<vmem>>
      %dma_wait3A_285 = tpu.memref_squeeze %dma_wait3A_284 : memref<1x125x64xf32, #tpu.memory_space<vmem>> -> memref<125x64xf32, #tpu.memory_space<vmem>>
      %dma_wait3A_286 = arith.constant 0 : i32
      %dma_wait3A_287 = tpu.memref_slice %arg5[%add3A_280, %dma_wait3A_286] : memref<80x125xi32, #tpu.memory_space<vmem>> -> memref<1x125xi32, #tpu.memory_space<vmem>>
      %dma_wait3A_288 = tpu.memref_squeeze %dma_wait3A_287 : memref<1x125xi32, #tpu.memory_space<vmem>> -> memref<125xi32, #tpu.memory_space<vmem>>
      %dma_wait3A_289 = arith.constant 0 : i32
      %dma_wait3A_290 = arith.constant 0 : i32
      %dma_wait3A_291 = tpu.memref_slice %arg3[%dma_wait3A_289, %dma_wait3A_290] : memref<10240x64xf32, #tpu.memory_space<hbm>> -> memref<10240x64xf32, #tpu.memory_space<hbm>>
      tpu.wait_indirect_dma semaphore(%arg14 : memref<!tpu.dma_semaphore, #tpu.memory_space<semaphore_mem>>) src(%dma_wait3A_291 : memref<10240x64xf32, #tpu.memory_space<hbm>>) dst(%dma_wait3A_285 : memref<125x64xf32, #tpu.memory_space<vmem>>)
      %dma_start3A_292 = arith.constant 4 : i32
      %dma_start3A_293 = arith.constant 0 : i32
      %dma_start3A_294 = arith.constant 0 : i32
      %dma_start3A_295 = tpu.memref_slice %arg7[%dma_start3A_292, %dma_start3A_293, %dma_start3A_294] : memref<5x125x64xf32, #tpu.memory_space<vmem>> -> memref<1x125x64xf32, #tpu.memory_space<vmem>>
      %dma_start3A_296 = tpu.memref_squeeze %dma_start3A_295 : memref<1x125x64xf32, #tpu.memory_space<vmem>> -> memref<125x64xf32, #tpu.memory_space<vmem>>
      %dma_start3A_297 = arith.constant 0 : i32
      %dma_start3A_298 = tpu.memref_slice %arg6[%add3A_280, %dma_start3A_297] : memref<80x125xi32, #tpu.memory_space<vmem>> -> memref<1x125xi32, #tpu.memory_space<vmem>>
      %dma_start3A_299 = tpu.memref_squeeze %dma_start3A_298 : memref<1x125xi32, #tpu.memory_space<vmem>> -> memref<125xi32, #tpu.memory_space<vmem>>
      %dma_start3A_300 = arith.constant 0 : i32
      %dma_start3A_301 = arith.constant 0 : i32
      %dma_start3A_302 = tpu.memref_slice %arg9[%dma_start3A_300, %dma_start3A_301] : memref<10240x64xf32, #tpu.memory_space<vmem_shared>> -> memref<10240x64xf32, #tpu.memory_space<vmem_shared>>
      tpu.enqueue_indirect_dma source(%dma_start3A_296 : memref<125x64xf32, #tpu.memory_space<vmem>>) target(%dma_start3A_302 : memref<10240x64xf32, #tpu.memory_space<vmem_shared>>) offsets(%dma_start3A_299 : memref<125xi32, #tpu.memory_space<vmem>>) semaphore(%arg21 : memref<!tpu.dma_semaphore, #tpu.memory_space<semaphore_mem>>) {add = true}
      %mul3A_303 = arith.constant 5 : i32
      %mul3A_304 = arith.muli %scan3A_172, %mul3A_303 : i32
      %add3A_305 = arith.constant 0 : i32
      %add3A_306 = arith.addi %mul3A_304, %add3A_305 : i32
      %lt3A = arith.constant 15 : i32
      %lt3A_307 = arith.cmpi slt, %scan3A_172, %lt3A : i32
      %convert_element_type3A = arith.extui %lt3A_307 : i1 to i32
      %cond3A = arith.constant 0 : i32
      %cond3A_308 = arith.cmpi ne, %convert_element_type3A, %cond3A : i32
      scf.if %cond3A_308 {
        %dma_wait3A_345 = arith.constant 0 : i32
        %dma_wait3A_346 = arith.constant 0 : i32
        %dma_wait3A_347 = arith.constant 0 : i32
        %dma_wait3A_348 = tpu.memref_slice %arg7[%dma_wait3A_345, %dma_wait3A_346, %dma_wait3A_347] : memref<5x125x64xf32, #tpu.memory_space<vmem>> -> memref<1x125x64xf32, #tpu.memory_space<vmem>>
        %dma_wait3A_349 = tpu.memref_squeeze %dma_wait3A_348 : memref<1x125x64xf32, #tpu.memory_space<vmem>> -> memref<125x64xf32, #tpu.memory_space<vmem>>
        %dma_wait3A_350 = arith.constant 0 : i32
        %dma_wait3A_351 = tpu.memref_slice %arg6[%add3A_306, %dma_wait3A_350] : memref<80x125xi32, #tpu.memory_space<vmem>> -> memref<1x125xi32, #tpu.memory_space<vmem>>
        %dma_wait3A_352 = tpu.memref_squeeze %dma_wait3A_351 : memref<1x125xi32, #tpu.memory_space<vmem>> -> memref<125xi32, #tpu.memory_space<vmem>>
        %dma_wait3A_353 = arith.constant 0 : i32
        %dma_wait3A_354 = arith.constant 0 : i32
        %dma_wait3A_355 = tpu.memref_slice %arg9[%dma_wait3A_353, %dma_wait3A_354] : memref<10240x64xf32, #tpu.memory_space<vmem_shared>> -> memref<10240x64xf32, #tpu.memory_space<vmem_shared>>
        tpu.wait_indirect_dma semaphore(%arg17 : memref<!tpu.dma_semaphore, #tpu.memory_space<semaphore_mem>>) src(%dma_wait3A_349 : memref<125x64xf32, #tpu.memory_space<vmem>>) dst(%dma_wait3A_355 : memref<10240x64xf32, #tpu.memory_space<vmem_shared>>)
        %add3A_356 = arith.constant 5 : i32
        %add3A_357 = arith.addi %add3A_306, %add3A_356 : i32
        %dma_start3A_358 = arith.constant 0 : i32
        %dma_start3A_359 = arith.constant 0 : i32
        %dma_start3A_360 = arith.constant 0 : i32
        %dma_start3A_361 = tpu.memref_slice %arg7[%dma_start3A_358, %dma_start3A_359, %dma_start3A_360] : memref<5x125x64xf32, #tpu.memory_space<vmem>> -> memref<1x125x64xf32, #tpu.memory_space<vmem>>
        %dma_start3A_362 = tpu.memref_squeeze %dma_start3A_361 : memref<1x125x64xf32, #tpu.memory_space<vmem>> -> memref<125x64xf32, #tpu.memory_space<vmem>>
        %dma_start3A_363 = arith.constant 0 : i32
        %dma_start3A_364 = tpu.memref_slice %arg5[%add3A_357, %dma_start3A_363] : memref<80x125xi32, #tpu.memory_space<vmem>> -> memref<1x125xi32, #tpu.memory_space<vmem>>
        %dma_start3A_365 = tpu.memref_squeeze %dma_start3A_364 : memref<1x125xi32, #tpu.memory_space<vmem>> -> memref<125xi32, #tpu.memory_space<vmem>>
        %dma_start3A_366 = arith.constant 0 : i32
        %dma_start3A_367 = arith.constant 0 : i32
        %dma_start3A_368 = tpu.memref_slice %arg3[%dma_start3A_366, %dma_start3A_367] : memref<10240x64xf32, #tpu.memory_space<hbm>> -> memref<10240x64xf32, #tpu.memory_space<hbm>>
        tpu.enqueue_indirect_dma source(%dma_start3A_368 : memref<10240x64xf32, #tpu.memory_space<hbm>>) target(%dma_start3A_362 : memref<125x64xf32, #tpu.memory_space<vmem>>) offsets(%dma_start3A_365 : memref<125xi32, #tpu.memory_space<vmem>>) semaphore(%arg10 : memref<!tpu.dma_semaphore, #tpu.memory_space<semaphore_mem>>)
      } else {
      }
      %mul3A_309 = arith.constant 5 : i32
      %mul3A_310 = arith.muli %scan3A_172, %mul3A_309 : i32
      %add3A_311 = arith.constant 1 : i32
      %add3A_312 = arith.addi %mul3A_310, %add3A_311 : i32
      %lt3A_313 = arith.constant 15 : i32
      %lt3A_314 = arith.cmpi slt, %scan3A_172, %lt3A_313 : i32
      %convert_element_type3A_315 = arith.extui %lt3A_314 : i1 to i32
      %cond3A_316 = arith.constant 0 : i32
      %cond3A_317 = arith.cmpi ne, %convert_element_type3A_315, %cond3A_316 : i32
      scf.if %cond3A_317 {
        %dma_wait3A_345 = arith.constant 1 : i32
        %dma_wait3A_346 = arith.constant 0 : i32
        %dma_wait3A_347 = arith.constant 0 : i32
        %dma_wait3A_348 = tpu.memref_slice %arg7[%dma_wait3A_345, %dma_wait3A_346, %dma_wait3A_347] : memref<5x125x64xf32, #tpu.memory_space<vmem>> -> memref<1x125x64xf32, #tpu.memory_space<vmem>>
        %dma_wait3A_349 = tpu.memref_squeeze %dma_wait3A_348 : memref<1x125x64xf32, #tpu.memory_space<vmem>> -> memref<125x64xf32, #tpu.memory_space<vmem>>
        %dma_wait3A_350 = arith.constant 0 : i32
        %dma_wait3A_351 = tpu.memref_slice %arg6[%add3A_312, %dma_wait3A_350] : memref<80x125xi32, #tpu.memory_space<vmem>> -> memref<1x125xi32, #tpu.memory_space<vmem>>
        %dma_wait3A_352 = tpu.memref_squeeze %dma_wait3A_351 : memref<1x125xi32, #tpu.memory_space<vmem>> -> memref<125xi32, #tpu.memory_space<vmem>>
        %dma_wait3A_353 = arith.constant 0 : i32
        %dma_wait3A_354 = arith.constant 0 : i32
        %dma_wait3A_355 = tpu.memref_slice %arg9[%dma_wait3A_353, %dma_wait3A_354] : memref<10240x64xf32, #tpu.memory_space<vmem_shared>> -> memref<10240x64xf32, #tpu.memory_space<vmem_shared>>
        tpu.wait_indirect_dma semaphore(%arg18 : memref<!tpu.dma_semaphore, #tpu.memory_space<semaphore_mem>>) src(%dma_wait3A_349 : memref<125x64xf32, #tpu.memory_space<vmem>>) dst(%dma_wait3A_355 : memref<10240x64xf32, #tpu.memory_space<vmem_shared>>)
        %add3A_356 = arith.constant 5 : i32
        %add3A_357 = arith.addi %add3A_312, %add3A_356 : i32
        %dma_start3A_358 = arith.constant 1 : i32
        %dma_start3A_359 = arith.constant 0 : i32
        %dma_start3A_360 = arith.constant 0 : i32
        %dma_start3A_361 = tpu.memref_slice %arg7[%dma_start3A_358, %dma_start3A_359, %dma_start3A_360] : memref<5x125x64xf32, #tpu.memory_space<vmem>> -> memref<1x125x64xf32, #tpu.memory_space<vmem>>
        %dma_start3A_362 = tpu.memref_squeeze %dma_start3A_361 : memref<1x125x64xf32, #tpu.memory_space<vmem>> -> memref<125x64xf32, #tpu.memory_space<vmem>>
        %dma_start3A_363 = arith.constant 0 : i32
        %dma_start3A_364 = tpu.memref_slice %arg5[%add3A_357, %dma_start3A_363] : memref<80x125xi32, #tpu.memory_space<vmem>> -> memref<1x125xi32, #tpu.memory_space<vmem>>
        %dma_start3A_365 = tpu.memref_squeeze %dma_start3A_364 : memref<1x125xi32, #tpu.memory_space<vmem>> -> memref<125xi32, #tpu.memory_space<vmem>>
        %dma_start3A_366 = arith.constant 0 : i32
        %dma_start3A_367 = arith.constant 0 : i32
        %dma_start3A_368 = tpu.memref_slice %arg3[%dma_start3A_366, %dma_start3A_367] : memref<10240x64xf32, #tpu.memory_space<hbm>> -> memref<10240x64xf32, #tpu.memory_space<hbm>>
        tpu.enqueue_indirect_dma source(%dma_start3A_368 : memref<10240x64xf32, #tpu.memory_space<hbm>>) target(%dma_start3A_362 : memref<125x64xf32, #tpu.memory_space<vmem>>) offsets(%dma_start3A_365 : memref<125xi32, #tpu.memory_space<vmem>>) semaphore(%arg11 : memref<!tpu.dma_semaphore, #tpu.memory_space<semaphore_mem>>)
      } else {
      }
      %mul3A_318 = arith.constant 5 : i32
      %mul3A_319 = arith.muli %scan3A_172, %mul3A_318 : i32
      %add3A_320 = arith.constant 2 : i32
      %add3A_321 = arith.addi %mul3A_319, %add3A_320 : i32
      %lt3A_322 = arith.constant 15 : i32
      %lt3A_323 = arith.cmpi slt, %scan3A_172, %lt3A_322 : i32
      %convert_element_type3A_324 = arith.extui %lt3A_323 : i1 to i32
      %cond3A_325 = arith.constant 0 : i32
      %cond3A_326 = arith.cmpi ne, %convert_element_type3A_324, %cond3A_325 : i32
      scf.if %cond3A_326 {
        %dma_wait3A_345 = arith.constant 2 : i32
        %dma_wait3A_346 = arith.constant 0 : i32
        %dma_wait3A_347 = arith.constant 0 : i32
        %dma_wait3A_348 = tpu.memref_slice %arg7[%dma_wait3A_345, %dma_wait3A_346, %dma_wait3A_347] : memref<5x125x64xf32, #tpu.memory_space<vmem>> -> memref<1x125x64xf32, #tpu.memory_space<vmem>>
        %dma_wait3A_349 = tpu.memref_squeeze %dma_wait3A_348 : memref<1x125x64xf32, #tpu.memory_space<vmem>> -> memref<125x64xf32, #tpu.memory_space<vmem>>
        %dma_wait3A_350 = arith.constant 0 : i32
        %dma_wait3A_351 = tpu.memref_slice %arg6[%add3A_321, %dma_wait3A_350] : memref<80x125xi32, #tpu.memory_space<vmem>> -> memref<1x125xi32, #tpu.memory_space<vmem>>
        %dma_wait3A_352 = tpu.memref_squeeze %dma_wait3A_351 : memref<1x125xi32, #tpu.memory_space<vmem>> -> memref<125xi32, #tpu.memory_space<vmem>>
        %dma_wait3A_353 = arith.constant 0 : i32
        %dma_wait3A_354 = arith.constant 0 : i32
        %dma_wait3A_355 = tpu.memref_slice %arg9[%dma_wait3A_353, %dma_wait3A_354] : memref<10240x64xf32, #tpu.memory_space<vmem_shared>> -> memref<10240x64xf32, #tpu.memory_space<vmem_shared>>
        tpu.wait_indirect_dma semaphore(%arg19 : memref<!tpu.dma_semaphore, #tpu.memory_space<semaphore_mem>>) src(%dma_wait3A_349 : memref<125x64xf32, #tpu.memory_space<vmem>>) dst(%dma_wait3A_355 : memref<10240x64xf32, #tpu.memory_space<vmem_shared>>)
        %add3A_356 = arith.constant 5 : i32
        %add3A_357 = arith.addi %add3A_321, %add3A_356 : i32
        %dma_start3A_358 = arith.constant 2 : i32
        %dma_start3A_359 = arith.constant 0 : i32
        %dma_start3A_360 = arith.constant 0 : i32
        %dma_start3A_361 = tpu.memref_slice %arg7[%dma_start3A_358, %dma_start3A_359, %dma_start3A_360] : memref<5x125x64xf32, #tpu.memory_space<vmem>> -> memref<1x125x64xf32, #tpu.memory_space<vmem>>
        %dma_start3A_362 = tpu.memref_squeeze %dma_start3A_361 : memref<1x125x64xf32, #tpu.memory_space<vmem>> -> memref<125x64xf32, #tpu.memory_space<vmem>>
        %dma_start3A_363 = arith.constant 0 : i32
        %dma_start3A_364 = tpu.memref_slice %arg5[%add3A_357, %dma_start3A_363] : memref<80x125xi32, #tpu.memory_space<vmem>> -> memref<1x125xi32, #tpu.memory_space<vmem>>
        %dma_start3A_365 = tpu.memref_squeeze %dma_start3A_364 : memref<1x125xi32, #tpu.memory_space<vmem>> -> memref<125xi32, #tpu.memory_space<vmem>>
        %dma_start3A_366 = arith.constant 0 : i32
        %dma_start3A_367 = arith.constant 0 : i32
        %dma_start3A_368 = tpu.memref_slice %arg3[%dma_start3A_366, %dma_start3A_367] : memref<10240x64xf32, #tpu.memory_space<hbm>> -> memref<10240x64xf32, #tpu.memory_space<hbm>>
        tpu.enqueue_indirect_dma source(%dma_start3A_368 : memref<10240x64xf32, #tpu.memory_space<hbm>>) target(%dma_start3A_362 : memref<125x64xf32, #tpu.memory_space<vmem>>) offsets(%dma_start3A_365 : memref<125xi32, #tpu.memory_space<vmem>>) semaphore(%arg12 : memref<!tpu.dma_semaphore, #tpu.memory_space<semaphore_mem>>)
      } else {
      }
      %mul3A_327 = arith.constant 5 : i32
      %mul3A_328 = arith.muli %scan3A_172, %mul3A_327 : i32
      %add3A_329 = arith.constant 3 : i32
      %add3A_330 = arith.addi %mul3A_328, %add3A_329 : i32
      %lt3A_331 = arith.constant 15 : i32
      %lt3A_332 = arith.cmpi slt, %scan3A_172, %lt3A_331 : i32
      %convert_element_type3A_333 = arith.extui %lt3A_332 : i1 to i32
      %cond3A_334 = arith.constant 0 : i32
      %cond3A_335 = arith.cmpi ne, %convert_element_type3A_333, %cond3A_334 : i32
      scf.if %cond3A_335 {
        %dma_wait3A_345 = arith.constant 3 : i32
        %dma_wait3A_346 = arith.constant 0 : i32
        %dma_wait3A_347 = arith.constant 0 : i32
        %dma_wait3A_348 = tpu.memref_slice %arg7[%dma_wait3A_345, %dma_wait3A_346, %dma_wait3A_347] : memref<5x125x64xf32, #tpu.memory_space<vmem>> -> memref<1x125x64xf32, #tpu.memory_space<vmem>>
        %dma_wait3A_349 = tpu.memref_squeeze %dma_wait3A_348 : memref<1x125x64xf32, #tpu.memory_space<vmem>> -> memref<125x64xf32, #tpu.memory_space<vmem>>
        %dma_wait3A_350 = arith.constant 0 : i32
        %dma_wait3A_351 = tpu.memref_slice %arg6[%add3A_330, %dma_wait3A_350] : memref<80x125xi32, #tpu.memory_space<vmem>> -> memref<1x125xi32, #tpu.memory_space<vmem>>
        %dma_wait3A_352 = tpu.memref_squeeze %dma_wait3A_351 : memref<1x125xi32, #tpu.memory_space<vmem>> -> memref<125xi32, #tpu.memory_space<vmem>>
        %dma_wait3A_353 = arith.constant 0 : i32
        %dma_wait3A_354 = arith.constant 0 : i32
        %dma_wait3A_355 = tpu.memref_slice %arg9[%dma_wait3A_353, %dma_wait3A_354] : memref<10240x64xf32, #tpu.memory_space<vmem_shared>> -> memref<10240x64xf32, #tpu.memory_space<vmem_shared>>
        tpu.wait_indirect_dma semaphore(%arg20 : memref<!tpu.dma_semaphore, #tpu.memory_space<semaphore_mem>>) src(%dma_wait3A_349 : memref<125x64xf32, #tpu.memory_space<vmem>>) dst(%dma_wait3A_355 : memref<10240x64xf32, #tpu.memory_space<vmem_shared>>)
        %add3A_356 = arith.constant 5 : i32
        %add3A_357 = arith.addi %add3A_330, %add3A_356 : i32
        %dma_start3A_358 = arith.constant 3 : i32
        %dma_start3A_359 = arith.constant 0 : i32
        %dma_start3A_360 = arith.constant 0 : i32
        %dma_start3A_361 = tpu.memref_slice %arg7[%dma_start3A_358, %dma_start3A_359, %dma_start3A_360] : memref<5x125x64xf32, #tpu.memory_space<vmem>> -> memref<1x125x64xf32, #tpu.memory_space<vmem>>
        %dma_start3A_362 = tpu.memref_squeeze %dma_start3A_361 : memref<1x125x64xf32, #tpu.memory_space<vmem>> -> memref<125x64xf32, #tpu.memory_space<vmem>>
        %dma_start3A_363 = arith.constant 0 : i32
        %dma_start3A_364 = tpu.memref_slice %arg5[%add3A_357, %dma_start3A_363] : memref<80x125xi32, #tpu.memory_space<vmem>> -> memref<1x125xi32, #tpu.memory_space<vmem>>
        %dma_start3A_365 = tpu.memref_squeeze %dma_start3A_364 : memref<1x125xi32, #tpu.memory_space<vmem>> -> memref<125xi32, #tpu.memory_space<vmem>>
        %dma_start3A_366 = arith.constant 0 : i32
        %dma_start3A_367 = arith.constant 0 : i32
        %dma_start3A_368 = tpu.memref_slice %arg3[%dma_start3A_366, %dma_start3A_367] : memref<10240x64xf32, #tpu.memory_space<hbm>> -> memref<10240x64xf32, #tpu.memory_space<hbm>>
        tpu.enqueue_indirect_dma source(%dma_start3A_368 : memref<10240x64xf32, #tpu.memory_space<hbm>>) target(%dma_start3A_362 : memref<125x64xf32, #tpu.memory_space<vmem>>) offsets(%dma_start3A_365 : memref<125xi32, #tpu.memory_space<vmem>>) semaphore(%arg13 : memref<!tpu.dma_semaphore, #tpu.memory_space<semaphore_mem>>)
      } else {
      }
      %mul3A_336 = arith.constant 5 : i32
      %mul3A_337 = arith.muli %scan3A_172, %mul3A_336 : i32
      %add3A_338 = arith.constant 4 : i32
      %add3A_339 = arith.addi %mul3A_337, %add3A_338 : i32
      %lt3A_340 = arith.constant 15 : i32
      %lt3A_341 = arith.cmpi slt, %scan3A_172, %lt3A_340 : i32
      %convert_element_type3A_342 = arith.extui %lt3A_341 : i1 to i32
      %cond3A_343 = arith.constant 0 : i32
      %cond3A_344 = arith.cmpi ne, %convert_element_type3A_342, %cond3A_343 : i32
      scf.if %cond3A_344 {
        %dma_wait3A_345 = arith.constant 4 : i32
        %dma_wait3A_346 = arith.constant 0 : i32
        %dma_wait3A_347 = arith.constant 0 : i32
        %dma_wait3A_348 = tpu.memref_slice %arg7[%dma_wait3A_345, %dma_wait3A_346, %dma_wait3A_347] : memref<5x125x64xf32, #tpu.memory_space<vmem>> -> memref<1x125x64xf32, #tpu.memory_space<vmem>>
        %dma_wait3A_349 = tpu.memref_squeeze %dma_wait3A_348 : memref<1x125x64xf32, #tpu.memory_space<vmem>> -> memref<125x64xf32, #tpu.memory_space<vmem>>
        %dma_wait3A_350 = arith.constant 0 : i32
        %dma_wait3A_351 = tpu.memref_slice %arg6[%add3A_339, %dma_wait3A_350] : memref<80x125xi32, #tpu.memory_space<vmem>> -> memref<1x125xi32, #tpu.memory_space<vmem>>
        %dma_wait3A_352 = tpu.memref_squeeze %dma_wait3A_351 : memref<1x125xi32, #tpu.memory_space<vmem>> -> memref<125xi32, #tpu.memory_space<vmem>>
        %dma_wait3A_353 = arith.constant 0 : i32
        %dma_wait3A_354 = arith.constant 0 : i32
        %dma_wait3A_355 = tpu.memref_slice %arg9[%dma_wait3A_353, %dma_wait3A_354] : memref<10240x64xf32, #tpu.memory_space<vmem_shared>> -> memref<10240x64xf32, #tpu.memory_space<vmem_shared>>
        tpu.wait_indirect_dma semaphore(%arg21 : memref<!tpu.dma_semaphore, #tpu.memory_space<semaphore_mem>>) src(%dma_wait3A_349 : memref<125x64xf32, #tpu.memory_space<vmem>>) dst(%dma_wait3A_355 : memref<10240x64xf32, #tpu.memory_space<vmem_shared>>)
        %add3A_356 = arith.constant 5 : i32
        %add3A_357 = arith.addi %add3A_339, %add3A_356 : i32
        %dma_start3A_358 = arith.constant 4 : i32
        %dma_start3A_359 = arith.constant 0 : i32
        %dma_start3A_360 = arith.constant 0 : i32
        %dma_start3A_361 = tpu.memref_slice %arg7[%dma_start3A_358, %dma_start3A_359, %dma_start3A_360] : memref<5x125x64xf32, #tpu.memory_space<vmem>> -> memref<1x125x64xf32, #tpu.memory_space<vmem>>
        %dma_start3A_362 = tpu.memref_squeeze %dma_start3A_361 : memref<1x125x64xf32, #tpu.memory_space<vmem>> -> memref<125x64xf32, #tpu.memory_space<vmem>>
        %dma_start3A_363 = arith.constant 0 : i32
        %dma_start3A_364 = tpu.memref_slice %arg5[%add3A_357, %dma_start3A_363] : memref<80x125xi32, #tpu.memory_space<vmem>> -> memref<1x125xi32, #tpu.memory_space<vmem>>
        %dma_start3A_365 = tpu.memref_squeeze %dma_start3A_364 : memref<1x125xi32, #tpu.memory_space<vmem>> -> memref<125xi32, #tpu.memory_space<vmem>>
        %dma_start3A_366 = arith.constant 0 : i32
        %dma_start3A_367 = arith.constant 0 : i32
        %dma_start3A_368 = tpu.memref_slice %arg3[%dma_start3A_366, %dma_start3A_367] : memref<10240x64xf32, #tpu.memory_space<hbm>> -> memref<10240x64xf32, #tpu.memory_space<hbm>>
        tpu.enqueue_indirect_dma source(%dma_start3A_368 : memref<10240x64xf32, #tpu.memory_space<hbm>>) target(%dma_start3A_362 : memref<125x64xf32, #tpu.memory_space<vmem>>) offsets(%dma_start3A_365 : memref<125xi32, #tpu.memory_space<vmem>>) semaphore(%arg14 : memref<!tpu.dma_semaphore, #tpu.memory_space<semaphore_mem>>)
      } else {
      }
    }
    %scan3A_105 = arith.constant 16 : i32
    %dma_wait3A_106 = arith.constant 0 : i32
    %dma_wait3A_107 = arith.constant 75 : i32
    %dma_wait3A_108 = arith.constant 0 : i32
    %dma_wait3A_109 = arith.constant 0 : i32
    %dma_wait3A_110 = tpu.memref_slice %arg7[%dma_wait3A_106, %dma_wait3A_108, %dma_wait3A_109] : memref<5x125x64xf32, #tpu.memory_space<vmem>> -> memref<1x125x64xf32, #tpu.memory_space<vmem>>
    %dma_wait3A_111 = tpu.memref_squeeze %dma_wait3A_110 : memref<1x125x64xf32, #tpu.memory_space<vmem>> -> memref<125x64xf32, #tpu.memory_space<vmem>>
    %dma_wait3A_112 = arith.constant 0 : i32
    %dma_wait3A_113 = tpu.memref_slice %arg6[%dma_wait3A_107, %dma_wait3A_112] : memref<80x125xi32, #tpu.memory_space<vmem>> -> memref<1x125xi32, #tpu.memory_space<vmem>>
    %dma_wait3A_114 = tpu.memref_squeeze %dma_wait3A_113 : memref<1x125xi32, #tpu.memory_space<vmem>> -> memref<125xi32, #tpu.memory_space<vmem>>
    %dma_wait3A_115 = arith.constant 0 : i32
    %dma_wait3A_116 = arith.constant 0 : i32
    %dma_wait3A_117 = tpu.memref_slice %arg9[%dma_wait3A_115, %dma_wait3A_116] : memref<10240x64xf32, #tpu.memory_space<vmem_shared>> -> memref<10240x64xf32, #tpu.memory_space<vmem_shared>>
    tpu.wait_indirect_dma semaphore(%arg17 : memref<!tpu.dma_semaphore, #tpu.memory_space<semaphore_mem>>) src(%dma_wait3A_111 : memref<125x64xf32, #tpu.memory_space<vmem>>) dst(%dma_wait3A_117 : memref<10240x64xf32, #tpu.memory_space<vmem_shared>>)
    %dma_wait3A_118 = arith.constant 1 : i32
    %dma_wait3A_119 = arith.constant 76 : i32
    %dma_wait3A_120 = arith.constant 0 : i32
    %dma_wait3A_121 = arith.constant 0 : i32
    %dma_wait3A_122 = tpu.memref_slice %arg7[%dma_wait3A_118, %dma_wait3A_120, %dma_wait3A_121] : memref<5x125x64xf32, #tpu.memory_space<vmem>> -> memref<1x125x64xf32, #tpu.memory_space<vmem>>
    %dma_wait3A_123 = tpu.memref_squeeze %dma_wait3A_122 : memref<1x125x64xf32, #tpu.memory_space<vmem>> -> memref<125x64xf32, #tpu.memory_space<vmem>>
    %dma_wait3A_124 = arith.constant 0 : i32
    %dma_wait3A_125 = tpu.memref_slice %arg6[%dma_wait3A_119, %dma_wait3A_124] : memref<80x125xi32, #tpu.memory_space<vmem>> -> memref<1x125xi32, #tpu.memory_space<vmem>>
    %dma_wait3A_126 = tpu.memref_squeeze %dma_wait3A_125 : memref<1x125xi32, #tpu.memory_space<vmem>> -> memref<125xi32, #tpu.memory_space<vmem>>
    %dma_wait3A_127 = arith.constant 0 : i32
    %dma_wait3A_128 = arith.constant 0 : i32
    %dma_wait3A_129 = tpu.memref_slice %arg9[%dma_wait3A_127, %dma_wait3A_128] : memref<10240x64xf32, #tpu.memory_space<vmem_shared>> -> memref<10240x64xf32, #tpu.memory_space<vmem_shared>>
    tpu.wait_indirect_dma semaphore(%arg18 : memref<!tpu.dma_semaphore, #tpu.memory_space<semaphore_mem>>) src(%dma_wait3A_123 : memref<125x64xf32, #tpu.memory_space<vmem>>) dst(%dma_wait3A_129 : memref<10240x64xf32, #tpu.memory_space<vmem_shared>>)
    %dma_wait3A_130 = arith.constant 2 : i32
    %dma_wait3A_131 = arith.constant 77 : i32
    %dma_wait3A_132 = arith.constant 0 : i32
    %dma_wait3A_133 = arith.constant 0 : i32
    %dma_wait3A_134 = tpu.memref_slice %arg7[%dma_wait3A_130, %dma_wait3A_132, %dma_wait3A_133] : memref<5x125x64xf32, #tpu.memory_space<vmem>> -> memref<1x125x64xf32, #tpu.memory_space<vmem>>
    %dma_wait3A_135 = tpu.memref_squeeze %dma_wait3A_134 : memref<1x125x64xf32, #tpu.memory_space<vmem>> -> memref<125x64xf32, #tpu.memory_space<vmem>>
    %dma_wait3A_136 = arith.constant 0 : i32
    %dma_wait3A_137 = tpu.memref_slice %arg6[%dma_wait3A_131, %dma_wait3A_136] : memref<80x125xi32, #tpu.memory_space<vmem>> -> memref<1x125xi32, #tpu.memory_space<vmem>>
    %dma_wait3A_138 = tpu.memref_squeeze %dma_wait3A_137 : memref<1x125xi32, #tpu.memory_space<vmem>> -> memref<125xi32, #tpu.memory_space<vmem>>
    %dma_wait3A_139 = arith.constant 0 : i32
    %dma_wait3A_140 = arith.constant 0 : i32
    %dma_wait3A_141 = tpu.memref_slice %arg9[%dma_wait3A_139, %dma_wait3A_140] : memref<10240x64xf32, #tpu.memory_space<vmem_shared>> -> memref<10240x64xf32, #tpu.memory_space<vmem_shared>>
    tpu.wait_indirect_dma semaphore(%arg19 : memref<!tpu.dma_semaphore, #tpu.memory_space<semaphore_mem>>) src(%dma_wait3A_135 : memref<125x64xf32, #tpu.memory_space<vmem>>) dst(%dma_wait3A_141 : memref<10240x64xf32, #tpu.memory_space<vmem_shared>>)
    %dma_wait3A_142 = arith.constant 3 : i32
    %dma_wait3A_143 = arith.constant 78 : i32
    %dma_wait3A_144 = arith.constant 0 : i32
    %dma_wait3A_145 = arith.constant 0 : i32
    %dma_wait3A_146 = tpu.memref_slice %arg7[%dma_wait3A_142, %dma_wait3A_144, %dma_wait3A_145] : memref<5x125x64xf32, #tpu.memory_space<vmem>> -> memref<1x125x64xf32, #tpu.memory_space<vmem>>
    %dma_wait3A_147 = tpu.memref_squeeze %dma_wait3A_146 : memref<1x125x64xf32, #tpu.memory_space<vmem>> -> memref<125x64xf32, #tpu.memory_space<vmem>>
    %dma_wait3A_148 = arith.constant 0 : i32
    %dma_wait3A_149 = tpu.memref_slice %arg6[%dma_wait3A_143, %dma_wait3A_148] : memref<80x125xi32, #tpu.memory_space<vmem>> -> memref<1x125xi32, #tpu.memory_space<vmem>>
    %dma_wait3A_150 = tpu.memref_squeeze %dma_wait3A_149 : memref<1x125xi32, #tpu.memory_space<vmem>> -> memref<125xi32, #tpu.memory_space<vmem>>
    %dma_wait3A_151 = arith.constant 0 : i32
    %dma_wait3A_152 = arith.constant 0 : i32
    %dma_wait3A_153 = tpu.memref_slice %arg9[%dma_wait3A_151, %dma_wait3A_152] : memref<10240x64xf32, #tpu.memory_space<vmem_shared>> -> memref<10240x64xf32, #tpu.memory_space<vmem_shared>>
    tpu.wait_indirect_dma semaphore(%arg20 : memref<!tpu.dma_semaphore, #tpu.memory_space<semaphore_mem>>) src(%dma_wait3A_147 : memref<125x64xf32, #tpu.memory_space<vmem>>) dst(%dma_wait3A_153 : memref<10240x64xf32, #tpu.memory_space<vmem_shared>>)
    %dma_wait3A_154 = arith.constant 4 : i32
    %dma_wait3A_155 = arith.constant 79 : i32
    %dma_wait3A_156 = arith.constant 0 : i32
    %dma_wait3A_157 = arith.constant 0 : i32
    %dma_wait3A_158 = tpu.memref_slice %arg7[%dma_wait3A_154, %dma_wait3A_156, %dma_wait3A_157] : memref<5x125x64xf32, #tpu.memory_space<vmem>> -> memref<1x125x64xf32, #tpu.memory_space<vmem>>
    %dma_wait3A_159 = tpu.memref_squeeze %dma_wait3A_158 : memref<1x125x64xf32, #tpu.memory_space<vmem>> -> memref<125x64xf32, #tpu.memory_space<vmem>>
    %dma_wait3A_160 = arith.constant 0 : i32
    %dma_wait3A_161 = tpu.memref_slice %arg6[%dma_wait3A_155, %dma_wait3A_160] : memref<80x125xi32, #tpu.memory_space<vmem>> -> memref<1x125xi32, #tpu.memory_space<vmem>>
    %dma_wait3A_162 = tpu.memref_squeeze %dma_wait3A_161 : memref<1x125xi32, #tpu.memory_space<vmem>> -> memref<125xi32, #tpu.memory_space<vmem>>
    %dma_wait3A_163 = arith.constant 0 : i32
    %dma_wait3A_164 = arith.constant 0 : i32
    %dma_wait3A_165 = tpu.memref_slice %arg9[%dma_wait3A_163, %dma_wait3A_164] : memref<10240x64xf32, #tpu.memory_space<vmem_shared>> -> memref<10240x64xf32, #tpu.memory_space<vmem_shared>>
    tpu.wait_indirect_dma semaphore(%arg21 : memref<!tpu.dma_semaphore, #tpu.memory_space<semaphore_mem>>) src(%dma_wait3A_159 : memref<125x64xf32, #tpu.memory_space<vmem>>) dst(%dma_wait3A_165 : memref<10240x64xf32, #tpu.memory_space<vmem_shared>>)
    %barrier3A_166 = arith.constant 0 : index
    tpu.barrier barrier_id(%barrier3A_166)
    %scan3A_167 = arith.constant 0 : i32
    %scan3A_168 = arith.constant 5 : i32
    %scan3A_169 = arith.addi %scan3A_167, %scan3A_168 : i32
    %scan3A_170 = arith.constant 1 : i32
    scf.for %scan3A_172 = %scan3A_167 to %scan3A_169 step %scan3A_170  : i32 {
      %mul3A_173 = arith.constant 640 : i32
      %mul3A_174 = arith.muli %arg1, %mul3A_173 : i32
      %mul3A_175 = arith.constant 128 : i32
      %mul3A_176 = arith.muli %scan3A_172, %mul3A_175 : i32
      %add3A_177 = arith.addi %mul3A_174, %mul3A_176 : i32
      "tpu.region"() ({
        %run_scoped3A = tpu.sem_alloc : memref<!tpu.dma_semaphore, #tpu.memory_space<semaphore_mem>>
        %dma_start3A_183 = arith.constant 0 : i32
        %dma_start3A_184 = tpu.memref_slice %arg9[%add3A_177, %dma_start3A_183] : memref<10240x64xf32, #tpu.memory_space<vmem_shared>> -> memref<128x64xf32, #tpu.memory_space<vmem_shared>>
        %dma_start3A_185 = arith.constant 0 : i32
        %dma_start3A_186 = tpu.memref_slice %arg9[%add3A_177, %dma_start3A_185] : memref<10240x64xf32, #tpu.memory_space<vmem_shared>> -> memref<128x64xf32, #tpu.memory_space<vmem_shared>>
        tpu.enqueue_dma source(%dma_start3A_186 : memref<128x64xf32, #tpu.memory_space<vmem_shared>>) target(%arg8 : memref<128x64xf32, #tpu.memory_space<vmem>>) target_semaphore(%run_scoped3A : memref<!tpu.dma_semaphore, #tpu.memory_space<semaphore_mem>>)
        %dma_wait3A_187 = arith.constant 0 : i32
        %dma_wait3A_188 = tpu.memref_slice %arg9[%add3A_177, %dma_wait3A_187] : memref<10240x64xf32, #tpu.memory_space<vmem_shared>> -> memref<128x64xf32, #tpu.memory_space<vmem_shared>>
        %dma_wait3A_189 = arith.constant 0 : i32
        %dma_wait3A_190 = tpu.memref_slice %arg9[%add3A_177, %dma_wait3A_189] : memref<10240x64xf32, #tpu.memory_space<vmem_shared>> -> memref<128x64xf32, #tpu.memory_space<vmem_shared>>
        tpu.wait_dma2 semaphore(%run_scoped3A : memref<!tpu.dma_semaphore, #tpu.memory_space<semaphore_mem>>) src(%dma_wait3A_190 : memref<128x64xf32, #tpu.memory_space<vmem_shared>>) dst(%arg8 : memref<128x64xf32, #tpu.memory_space<vmem>>)
        tpu.yield
      }) : () -> ()
      %mul3A_178 = arith.constant 640 : i32
      %mul3A_179 = arith.muli %arg1, %mul3A_178 : i32
      %mul3A_180 = arith.constant 128 : i32
      %mul3A_181 = arith.muli %scan3A_172, %mul3A_180 : i32
      %add3A_182 = arith.addi %mul3A_179, %mul3A_181 : i32
      "tpu.region"() ({
        %run_scoped3A = tpu.sem_alloc : memref<!tpu.dma_semaphore, #tpu.memory_space<semaphore_mem>>
        %dma_start3A_183 = arith.constant 0 : i32
        %dma_start3A_184 = tpu.memref_slice %arg4[%arg0, %add3A_182, %dma_start3A_183] : memref<2x10240x64xf32, #tpu.memory_space<hbm>> -> memref<1x128x64xf32, #tpu.memory_space<hbm>>
        %dma_start3A_185 = tpu.memref_squeeze %dma_start3A_184 : memref<1x128x64xf32, #tpu.memory_space<hbm>> -> memref<128x64xf32, #tpu.memory_space<hbm>>
        %dma_start3A_186 = arith.constant 0 : i32
        %dma_start3A_187 = tpu.memref_slice %arg4[%arg0, %add3A_182, %dma_start3A_186] : memref<2x10240x64xf32, #tpu.memory_space<hbm>> -> memref<1x128x64xf32, #tpu.memory_space<hbm>>
        %dma_start3A_188 = tpu.memref_squeeze %dma_start3A_187 : memref<1x128x64xf32, #tpu.memory_space<hbm>> -> memref<128x64xf32, #tpu.memory_space<hbm>>
        tpu.enqueue_dma source(%arg8 : memref<128x64xf32, #tpu.memory_space<vmem>>) target(%dma_start3A_188 : memref<128x64xf32, #tpu.memory_space<hbm>>) target_semaphore(%run_scoped3A : memref<!tpu.dma_semaphore, #tpu.memory_space<semaphore_mem>>)
        %dma_wait3A_189 = arith.constant 0 : i32
        %dma_wait3A_190 = tpu.memref_slice %arg4[%arg0, %add3A_182, %dma_wait3A_189] : memref<2x10240x64xf32, #tpu.memory_space<hbm>> -> memref<1x128x64xf32, #tpu.memory_space<hbm>>
        %dma_wait3A_191 = tpu.memref_squeeze %dma_wait3A_190 : memref<1x128x64xf32, #tpu.memory_space<hbm>> -> memref<128x64xf32, #tpu.memory_space<hbm>>
        %dma_wait3A_192 = arith.constant 0 : i32
        %dma_wait3A_193 = tpu.memref_slice %arg4[%arg0, %add3A_182, %dma_wait3A_192] : memref<2x10240x64xf32, #tpu.memory_space<hbm>> -> memref<1x128x64xf32, #tpu.memory_space<hbm>>
        %dma_wait3A_194 = tpu.memref_squeeze %dma_wait3A_193 : memref<1x128x64xf32, #tpu.memory_space<hbm>> -> memref<128x64xf32, #tpu.memory_space<hbm>>
        tpu.wait_dma2 semaphore(%run_scoped3A : memref<!tpu.dma_semaphore, #tpu.memory_space<semaphore_mem>>) src(%arg8 : memref<128x64xf32, #tpu.memory_space<vmem>>) dst(%dma_wait3A_194 : memref<128x64xf32, #tpu.memory_space<hbm>>)
        tpu.yield
      }) : () -> ()
    }
    %scan3A_171 = arith.constant 5 : i32
    return
  }
}

#map = affine_map<(d0, d1) -> (0, 0)>
#map1 = affine_map<(d0, d1) -> (0)>
module attributes {stable_mosaic.version = 14 : i64} {
  func.func @_deg_body(%arg0: i32, %arg1: i32, %arg2: memref<2x320000xi32, #tpu.memory_space<hbm>>, %arg3: memref<320000xf32, #tpu.memory_space<hbm>>, %arg4: memref<10000xi32, #tpu.memory_space<vmem>>, %arg5: memref<10000xf32, #tpu.memory_space<vmem>>, %arg6: memref<!tpu.dma_semaphore, #tpu.memory_space<semaphore_mem>>) attributes {dimension_semantics = [#tpu.dimension_semantics<core_parallel>, #tpu.dimension_semantics<subcore_parallel>], iteration_bounds = array<i64: 2, 16>, scalar_prefetch = 0 : i64, scratch_operands = 3 : i64, tpu.core_type = #tpu.core_type<sc_vector_subcore>, window_params = [{transform_indices = #map}, {transform_indices = #map1}]} {
    %mul3A = arith.constant 16 : i32
    %mul3A_0 = arith.muli %arg0, %mul3A : i32
    %add3A = arith.addi %mul3A_0, %arg1 : i32
    %mul3A_1 = arith.constant 10000 : i32
    %mul3A_2 = arith.muli %add3A, %mul3A_1 : i32
    %dma_start3A = arith.constant 1 : i32
    %dma_start3A_3 = tpu.memref_slice %arg2[%dma_start3A, %mul3A_2] : memref<2x320000xi32, #tpu.memory_space<hbm>> -> memref<1x10000xi32, #tpu.memory_space<hbm>>
    %dma_start3A_4 = tpu.memref_squeeze %dma_start3A_3 : memref<1x10000xi32, #tpu.memory_space<hbm>> -> memref<10000xi32, #tpu.memory_space<hbm>>
    %dma_start3A_5 = tpu.memref_slice %arg2[%dma_start3A, %mul3A_2] : memref<2x320000xi32, #tpu.memory_space<hbm>> -> memref<1x10000xi32, #tpu.memory_space<hbm>>
    %dma_start3A_6 = tpu.memref_squeeze %dma_start3A_5 : memref<1x10000xi32, #tpu.memory_space<hbm>> -> memref<10000xi32, #tpu.memory_space<hbm>>
    tpu.enqueue_dma source(%dma_start3A_6 : memref<10000xi32, #tpu.memory_space<hbm>>) target(%arg4 : memref<10000xi32, #tpu.memory_space<vmem>>) target_semaphore(%arg6 : memref<!tpu.dma_semaphore, #tpu.memory_space<semaphore_mem>>)
    %broadcast_in_dim3A = arith.constant 0.000000e+00 : f32
    %broadcast_in_dim3A_7 = vector.broadcast %broadcast_in_dim3A : f32 to vector<16xf32>
    %scan3A = arith.constant 0 : i32
    %scan3A_8 = arith.constant 625 : i32
    %scan3A_9 = arith.addi %scan3A, %scan3A_8 : i32
    %scan3A_10 = arith.constant 1 : i32
    scf.for %scan3A_25 = %scan3A to %scan3A_9 step %scan3A_10  : i32 {
      %mul3A_26 = arith.constant 16 : i32
      %mul3A_27 = arith.muli %scan3A_25, %mul3A_26 : i32
      %swap3A = arith.index_cast %mul3A_27 : i32 to index
      %swap3A_28 = tpu.vector_load %arg5[%swap3A] {strides = array<i32>} : memref<10000xf32, #tpu.memory_space<vmem>>, vector<16xf32>,
      tpu.vector_store %arg5[%swap3A], %broadcast_in_dim3A_7 {strides = array<i32>} : memref<10000xf32, #tpu.memory_space<vmem>>, vector<16xf32>,
    }
    %scan3A_11 = arith.constant 625 : i32
    %dma_wait3A = arith.constant 1 : i32
    %dma_wait3A_12 = tpu.memref_slice %arg2[%dma_wait3A, %mul3A_2] : memref<2x320000xi32, #tpu.memory_space<hbm>> -> memref<1x10000xi32, #tpu.memory_space<hbm>>
    %dma_wait3A_13 = tpu.memref_squeeze %dma_wait3A_12 : memref<1x10000xi32, #tpu.memory_space<hbm>> -> memref<10000xi32, #tpu.memory_space<hbm>>
    %dma_wait3A_14 = tpu.memref_slice %arg2[%dma_wait3A, %mul3A_2] : memref<2x320000xi32, #tpu.memory_space<hbm>> -> memref<1x10000xi32, #tpu.memory_space<hbm>>
    %dma_wait3A_15 = tpu.memref_squeeze %dma_wait3A_14 : memref<1x10000xi32, #tpu.memory_space<hbm>> -> memref<10000xi32, #tpu.memory_space<hbm>>
    tpu.wait_dma2 semaphore(%arg6 : memref<!tpu.dma_semaphore, #tpu.memory_space<semaphore_mem>>) src(%dma_wait3A_15 : memref<10000xi32, #tpu.memory_space<hbm>>) dst(%arg4 : memref<10000xi32, #tpu.memory_space<vmem>>)
    %broadcast_in_dim3A_16 = arith.constant 1.000000e+00 : f32
    %broadcast_in_dim3A_17 = vector.broadcast %broadcast_in_dim3A_16 : f32 to vector<16xf32>
    %scan3A_18 = arith.constant 0 : i32
    %scan3A_19 = arith.constant 625 : i32
    %scan3A_20 = arith.addi %scan3A_18, %scan3A_19 : i32
    %scan3A_21 = arith.constant 1 : i32
    scf.for %scan3A_25 = %scan3A_18 to %scan3A_20 step %scan3A_21  : i32 {
      %mul3A_26 = arith.constant 16 : i32
      %mul3A_27 = arith.muli %scan3A_25, %mul3A_26 : i32
      %get3A = arith.index_cast %mul3A_27 : i32 to index
      %get3A_28 = tpu.vector_load %arg4[%get3A] {strides = array<i32>} : memref<10000xi32, #tpu.memory_space<vmem>>, vector<16xi32>,
      tpu.vector_store_idx %arg5[%get3A_28], %broadcast_in_dim3A_17 {add = true} : memref<10000xf32, #tpu.memory_space<vmem>>[vector<16xi32>], vector<16xf32>,
    }
    %scan3A_22 = arith.constant 625 : i32
    %mul3A_23 = arith.constant 10000 : i32
    %mul3A_24 = arith.muli %add3A, %mul3A_23 : i32
    "tpu.region"() ({
      %run_scoped3A = tpu.sem_alloc : memref<!tpu.dma_semaphore, #tpu.memory_space<semaphore_mem>>
      %dma_start3A_25 = tpu.memref_slice %arg3[%mul3A_24] : memref<320000xf32, #tpu.memory_space<hbm>> -> memref<10000xf32, #tpu.memory_space<hbm>>
      %dma_start3A_26 = tpu.memref_slice %arg3[%mul3A_24] : memref<320000xf32, #tpu.memory_space<hbm>> -> memref<10000xf32, #tpu.memory_space<hbm>>
      tpu.enqueue_dma source(%arg5 : memref<10000xf32, #tpu.memory_space<vmem>>) target(%dma_start3A_26 : memref<10000xf32, #tpu.memory_space<hbm>>) target_semaphore(%run_scoped3A : memref<!tpu.dma_semaphore, #tpu.memory_space<semaphore_mem>>)
      %dma_wait3A_27 = tpu.memref_slice %arg3[%mul3A_24] : memref<320000xf32, #tpu.memory_space<hbm>> -> memref<10000xf32, #tpu.memory_space<hbm>>
      %dma_wait3A_28 = tpu.memref_slice %arg3[%mul3A_24] : memref<320000xf32, #tpu.memory_space<hbm>> -> memref<10000xf32, #tpu.memory_space<hbm>>
      tpu.wait_dma2 semaphore(%run_scoped3A : memref<!tpu.dma_semaphore, #tpu.memory_space<semaphore_mem>>) src(%arg5 : memref<10000xf32, #tpu.memory_space<vmem>>) dst(%dma_wait3A_28 : memref<10000xf32, #tpu.memory_space<hbm>>)
      tpu.yield
    }) : () -> ()
    return
  }
}

module attributes {stable_mosaic.version = 14 : i64} {
  func.func @_tc_b_body(%arg0: memref<10000x128xf32, #tpu.memory_space<vmem>>, %arg1: memref<128x64xf32, #tpu.memory_space<vmem>>, %arg2: memref<32x10000xf32, #tpu.memory_space<vmem>>, %arg3: memref<10240x64xf32, #tpu.memory_space<vmem>>, %arg4: memref<10000x1xf32, #tpu.memory_space<vmem>>) attributes {dimension_semantics = [], scalar_prefetch = 0 : i64, scratch_operands = 0 : i64, tpu.core_type = #tpu.core_type<tc>} {
    %get3A = arith.constant 0 : index
    %get3A_0 = arith.constant 0 : index
    %get3A_1 = vector.load %arg2[%get3A, %get3A_0] : memref<32x10000xf32, #tpu.memory_space<vmem>>, vector<32x10000xf32>
    %reduce_sum3A = arith.constant dense<0.000000e+00> : vector<10000xf32>
    %reduce_sum3A_2 = vector.multi_reduction <add>, %get3A_1, %reduce_sum3A [0] : vector<32x10000xf32> to vector<10000xf32>
    %broadcast_in_dim3A = vector.shape_cast %reduce_sum3A_2 : vector<10000xf32> to vector<10000x1xf32>
    %add3A = arith.constant 1.000000e+00 : f32
    %add3A_3 = vector.broadcast %add3A : f32 to vector<10000x1xf32>
    %add3A_4 = arith.addf %broadcast_in_dim3A, %add3A_3 : vector<10000x1xf32>
    %rsqrt3A = math.rsqrt %add3A_4 : vector<10000x1xf32>
    %get3A_5 = arith.constant 0 : index
    %get3A_6 = arith.constant 0 : index
    %get3A_7 = vector.load %arg0[%get3A_5, %get3A_6] : memref<10000x128xf32, #tpu.memory_space<vmem>>, vector<10000x128xf32>
    %get3A_8 = arith.constant 0 : index
    %get3A_9 = arith.constant 0 : index
    %get3A_10 = vector.load %arg1[%get3A_8, %get3A_9] : memref<128x64xf32, #tpu.memory_space<vmem>>, vector<128x64xf32>
    %dot_general3A = arith.constant dense<0.000000e+00> : vector<10000x64xf32>
    %dot_general3A_11 = tpu.matmul %get3A_7, %get3A_10, %dot_general3A {dimension_numbers = #tpu.dot_dimension_numbers<[1], [0], [0], [1], [0, 0, 1, 1], [], []>, transpose_lhs_hint = false} : vector<10000x128xf32>, vector<128x64xf32>, vector<10000x64xf32> -> vector<10000x64xf32>
    %mul3A = vector.broadcast %rsqrt3A : vector<10000x1xf32> to vector<10000x64xf32>
    %mul3A_12 = arith.mulf %dot_general3A_11, %mul3A : vector<10000x64xf32>
    %swap3A = arith.constant 0 : index
    %swap3A_13 = arith.constant 0 : index
    %swap3A_14 = vector.load %arg3[%swap3A, %swap3A_13] : memref<10240x64xf32, #tpu.memory_space<vmem>>, vector<10000x64xf32>
    tpu.vector_store %arg3[%swap3A, %swap3A_13], %mul3A_12 {strides = array<i32>} : memref<10240x64xf32, #tpu.memory_space<vmem>>, vector<10000x64xf32>,
    %broadcast_in_dim3A_15 = arith.constant 0.000000e+00 : f32
    %broadcast_in_dim3A_16 = vector.broadcast %broadcast_in_dim3A_15 : f32 to vector<240x64xf32>
    %swap3A_17 = arith.constant 10000 : index
    %swap3A_18 = arith.constant 0 : index
    %swap3A_19 = vector.load %arg3[%swap3A_17, %swap3A_18] : memref<10240x64xf32, #tpu.memory_space<vmem>>, vector<240x64xf32>
    tpu.vector_store %arg3[%swap3A_17, %swap3A_18], %broadcast_in_dim3A_16 {strides = array<i32>} : memref<10240x64xf32, #tpu.memory_space<vmem>>, vector<240x64xf32>,
    %swap3A_20 = arith.constant 0 : index
    %swap3A_21 = arith.constant 0 : index
    %swap3A_22 = vector.load %arg4[%swap3A_20, %swap3A_21] : memref<10000x1xf32, #tpu.memory_space<vmem>>, vector<10000x1xf32>
    tpu.vector_store %arg4[%swap3A_20, %swap3A_21], %rsqrt3A {strides = array<i32>} : memref<10000x1xf32, #tpu.memory_space<vmem>>, vector<10000x1xf32>,
    return
  }
}

module attributes {stable_mosaic.version = 14 : i64} {
  func.func @_tc_d_body(%arg0: memref<2x10240x64xf32, #tpu.memory_space<vmem>>, %arg1: memref<10240x64xf32, #tpu.memory_space<vmem>>, %arg2: memref<10000x1xf32, #tpu.memory_space<vmem>>, %arg3: memref<64xf32, #tpu.memory_space<vmem>>, %arg4: memref<64xf32, #tpu.memory_space<vmem>>, %arg5: memref<64xf32, #tpu.memory_space<vmem>>, %arg6: memref<64x2xf32, #tpu.memory_space<vmem>>, %arg7: memref<10000x2xf32, #tpu.memory_space<vmem>>, %arg8: memref<2x10000xf32, #tpu.memory_space<vmem>>) attributes {dimension_semantics = [], scalar_prefetch = 0 : i64, scratch_operands = 0 : i64, tpu.core_type = #tpu.core_type<tc>} {
    %get3A = arith.constant 0 : index
    %get3A_0 = arith.constant 0 : index
    %get3A_1 = vector.load %arg2[%get3A, %get3A_0] : memref<10000x1xf32, #tpu.memory_space<vmem>>, vector<10000x1xf32>
    %get3A_2 = arith.constant 0 : index
    %get3A_3 = arith.constant 0 : index
    %get3A_4 = arith.constant 0 : index
    %get3A_5 = vector.load %arg0[%get3A_2, %get3A_3, %get3A_4] : memref<2x10240x64xf32, #tpu.memory_space<vmem>>, vector<1x10240x64xf32>
    %get3A_6 = vector.shape_cast %get3A_5 : vector<1x10240x64xf32> to vector<10240x64xf32>
    %get3A_7 = arith.constant 1 : index
    %get3A_8 = arith.constant 0 : index
    %get3A_9 = arith.constant 0 : index
    %get3A_10 = vector.load %arg0[%get3A_7, %get3A_8, %get3A_9] : memref<2x10240x64xf32, #tpu.memory_space<vmem>>, vector<1x10240x64xf32>
    %get3A_11 = vector.shape_cast %get3A_10 : vector<1x10240x64xf32> to vector<10240x64xf32>
    %add3A = arith.addf %get3A_6, %get3A_11 : vector<10240x64xf32>
    %slice3A = vector.extract_strided_slice %add3A {offsets = [0, 0], sizes = [10000, 64], strides = [1, 1]} : vector<10240x64xf32> to vector<10000x64xf32>
    %get3A_12 = arith.constant 0 : index
    %get3A_13 = arith.constant 0 : index
    %get3A_14 = vector.load %arg1[%get3A_12, %get3A_13] : memref<10240x64xf32, #tpu.memory_space<vmem>>, vector<10000x64xf32>
    %add3A_15 = arith.addf %slice3A, %get3A_14 : vector<10000x64xf32>
    %mul3A = vector.broadcast %get3A_1 : vector<10000x1xf32> to vector<10000x64xf32>
    %mul3A_16 = arith.mulf %add3A_15, %mul3A : vector<10000x64xf32>
    %get3A_17 = arith.constant 0 : index
    %get3A_18 = vector.load %arg3[%get3A_17] : memref<64xf32, #tpu.memory_space<vmem>>, vector<64xf32>
    %broadcast_in_dim3A = vector.shape_cast %get3A_18 : vector<64xf32> to vector<1x64xf32>
    %add3A_19 = vector.broadcast %broadcast_in_dim3A : vector<1x64xf32> to vector<10000x64xf32>
    %add3A_20 = arith.addf %mul3A_16, %add3A_19 : vector<10000x64xf32>
    %reduce_sum3A = arith.constant dense<0.000000e+00> : vector<64xf32>
    %reduce_sum3A_21 = vector.multi_reduction <add>, %add3A_20, %reduce_sum3A [0] : vector<10000x64xf32> to vector<64xf32>
    %broadcast_in_dim3A_22 = vector.shape_cast %reduce_sum3A_21 : vector<64xf32> to vector<1x64xf32>
    %div3A = arith.constant 1.000000e+04 : f32
    %div3A_23 = vector.broadcast %div3A : f32 to vector<1x64xf32>
    %div3A_24 = arith.divf %broadcast_in_dim3A_22, %div3A_23 : vector<1x64xf32>
    %sub3A = vector.broadcast %div3A_24 : vector<1x64xf32> to vector<10000x64xf32>
    %sub3A_25 = arith.subf %add3A_20, %sub3A : vector<10000x64xf32>
    %integer_pow3A = arith.mulf %sub3A_25, %sub3A_25 : vector<10000x64xf32>
    %reduce_sum3A_26 = arith.constant dense<0.000000e+00> : vector<64xf32>
    %reduce_sum3A_27 = vector.multi_reduction <add>, %integer_pow3A, %reduce_sum3A_26 [0] : vector<10000x64xf32> to vector<64xf32>
    %broadcast_in_dim3A_28 = vector.shape_cast %reduce_sum3A_27 : vector<64xf32> to vector<1x64xf32>
    %div3A_29 = arith.constant 1.000000e+04 : f32
    %div3A_30 = vector.broadcast %div3A_29 : f32 to vector<1x64xf32>
    %div3A_31 = arith.divf %broadcast_in_dim3A_28, %div3A_30 : vector<1x64xf32>
    %sub3A_32 = vector.broadcast %div3A_24 : vector<1x64xf32> to vector<10000x64xf32>
    %sub3A_33 = arith.subf %add3A_20, %sub3A_32 : vector<10000x64xf32>
    %add3A_34 = arith.constant 9.99999974E-6 : f32
    %add3A_35 = vector.broadcast %add3A_34 : f32 to vector<1x64xf32>
    %add3A_36 = arith.addf %div3A_31, %add3A_35 : vector<1x64xf32>
    %rsqrt3A = math.rsqrt %add3A_36 : vector<1x64xf32>
    %mul3A_37 = vector.broadcast %rsqrt3A : vector<1x64xf32> to vector<10000x64xf32>
    %mul3A_38 = arith.mulf %sub3A_33, %mul3A_37 : vector<10000x64xf32>
    %get3A_39 = arith.constant 0 : index
    %get3A_40 = vector.load %arg4[%get3A_39] : memref<64xf32, #tpu.memory_space<vmem>>, vector<64xf32>
    %broadcast_in_dim3A_41 = vector.shape_cast %get3A_40 : vector<64xf32> to vector<1x64xf32>
    %mul3A_42 = vector.broadcast %broadcast_in_dim3A_41 : vector<1x64xf32> to vector<10000x64xf32>
    %mul3A_43 = arith.mulf %mul3A_38, %mul3A_42 : vector<10000x64xf32>
    %get3A_44 = arith.constant 0 : index
    %get3A_45 = vector.load %arg5[%get3A_44] : memref<64xf32, #tpu.memory_space<vmem>>, vector<64xf32>
    %broadcast_in_dim3A_46 = vector.shape_cast %get3A_45 : vector<64xf32> to vector<1x64xf32>
    %add3A_47 = vector.broadcast %broadcast_in_dim3A_46 : vector<1x64xf32> to vector<10000x64xf32>
    %add3A_48 = arith.addf %mul3A_43, %add3A_47 : vector<10000x64xf32>
    %max3A = arith.constant 0.000000e+00 : f32
    %max3A_49 = vector.broadcast %max3A : f32 to vector<10000x64xf32>
    %max3A_50 = arith.maximumf %add3A_48, %max3A_49 : vector<10000x64xf32>
    %get3A_51 = arith.constant 0 : index
    %get3A_52 = arith.constant 0 : index
    %get3A_53 = vector.load %arg6[%get3A_51, %get3A_52] : memref<64x2xf32, #tpu.memory_space<vmem>>, vector<64x2xf32>
    %dot_general3A = arith.constant dense<0.000000e+00> : vector<10000x2xf32>
    %dot_general3A_54 = tpu.matmul %max3A_50, %get3A_53, %dot_general3A {dimension_numbers = #tpu.dot_dimension_numbers<[1], [0], [0], [1], [0, 0, 1, 1], [], []>, transpose_lhs_hint = false} : vector<10000x64xf32>, vector<64x2xf32>, vector<10000x2xf32> -> vector<10000x2xf32>
    %mul3A_55 = vector.broadcast %get3A_1 : vector<10000x1xf32> to vector<10000x2xf32>
    %mul3A_56 = arith.mulf %dot_general3A_54, %mul3A_55 : vector<10000x2xf32>
    %swap3A = arith.constant 0 : index
    %swap3A_57 = arith.constant 0 : index
    %swap3A_58 = vector.load %arg7[%swap3A, %swap3A_57] : memref<10000x2xf32, #tpu.memory_space<vmem>>, vector<10000x2xf32>
    tpu.vector_store %arg7[%swap3A, %swap3A_57], %mul3A_56 {strides = array<i32>} : memref<10000x2xf32, #tpu.memory_space<vmem>>, vector<10000x2xf32>,
    %transpose3A = tpu.transpose %mul3A_56, [1, 0] : vector<10000x2xf32> -> vector<2x10000xf32>
    %swap3A_59 = arith.constant 0 : index
    %swap3A_60 = arith.constant 0 : index
    %swap3A_61 = vector.load %arg8[%swap3A_59, %swap3A_60] : memref<2x10000xf32, #tpu.memory_space<vmem>>, vector<2x10000xf32>
    tpu.vector_store %arg8[%swap3A_59, %swap3A_60], %transpose3A {strides = array<i32>} : memref<2x10000xf32, #tpu.memory_space<vmem>>, vector<2x10000xf32>,
    return
  }
}

module attributes {stable_mosaic.version = 14 : i64} {
  func.func @_tc_f_body(%arg0: memref<32x2x10000xf32, #tpu.memory_space<vmem>>, %arg1: memref<10000x2xf32, #tpu.memory_space<vmem>>, %arg2: memref<10000x1xf32, #tpu.memory_space<vmem>>, %arg3: memref<2xf32, #tpu.memory_space<vmem>>, %arg4: memref<2xf32, #tpu.memory_space<vmem>>, %arg5: memref<2xf32, #tpu.memory_space<vmem>>, %arg6: memref<2x128xf32, #tpu.memory_space<vmem>>, %arg7: memref<128xf32, #tpu.memory_space<vmem>>, %arg8: memref<10000x128xf32, #tpu.memory_space<vmem>>) attributes {dimension_semantics = [], scalar_prefetch = 0 : i64, scratch_operands = 0 : i64, tpu.core_type = #tpu.core_type<tc>} {
    %get3A = arith.constant 0 : index
    %get3A_0 = arith.constant 0 : index
    %get3A_1 = arith.constant 0 : index
    %get3A_2 = vector.load %arg0[%get3A, %get3A_0, %get3A_1] : memref<32x2x10000xf32, #tpu.memory_space<vmem>>, vector<32x2x10000xf32>
    %reduce_sum3A = arith.constant dense<0.000000e+00> : vector<2x10000xf32>
    %reduce_sum3A_3 = vector.multi_reduction <add>, %get3A_2, %reduce_sum3A [0] : vector<32x2x10000xf32> to vector<2x10000xf32>
    %transpose3A = tpu.transpose %reduce_sum3A_3, [1, 0] : vector<2x10000xf32> -> vector<10000x2xf32>
    %get3A_4 = arith.constant 0 : index
    %get3A_5 = arith.constant 0 : index
    %get3A_6 = vector.load %arg1[%get3A_4, %get3A_5] : memref<10000x2xf32, #tpu.memory_space<vmem>>, vector<10000x2xf32>
    %add3A = arith.addf %transpose3A, %get3A_6 : vector<10000x2xf32>
    %get3A_7 = arith.constant 0 : index
    %get3A_8 = arith.constant 0 : index
    %get3A_9 = vector.load %arg2[%get3A_7, %get3A_8] : memref<10000x1xf32, #tpu.memory_space<vmem>>, vector<10000x1xf32>
    %mul3A = vector.broadcast %get3A_9 : vector<10000x1xf32> to vector<10000x2xf32>
    %mul3A_10 = arith.mulf %add3A, %mul3A : vector<10000x2xf32>
    %get3A_11 = arith.constant 0 : index
    %get3A_12 = vector.load %arg3[%get3A_11] : memref<2xf32, #tpu.memory_space<vmem>>, vector<2xf32>
    %broadcast_in_dim3A = vector.shape_cast %get3A_12 : vector<2xf32> to vector<1x2xf32>
    %add3A_13 = vector.broadcast %broadcast_in_dim3A : vector<1x2xf32> to vector<10000x2xf32>
    %add3A_14 = arith.addf %mul3A_10, %add3A_13 : vector<10000x2xf32>
    %reduce_sum3A_15 = arith.constant dense<0.000000e+00> : vector<2xf32>
    %reduce_sum3A_16 = vector.multi_reduction <add>, %add3A_14, %reduce_sum3A_15 [0] : vector<10000x2xf32> to vector<2xf32>
    %broadcast_in_dim3A_17 = vector.shape_cast %reduce_sum3A_16 : vector<2xf32> to vector<1x2xf32>
    %div3A = arith.constant 1.000000e+04 : f32
    %div3A_18 = vector.broadcast %div3A : f32 to vector<1x2xf32>
    %div3A_19 = arith.divf %broadcast_in_dim3A_17, %div3A_18 : vector<1x2xf32>
    %sub3A = vector.broadcast %div3A_19 : vector<1x2xf32> to vector<10000x2xf32>
    %sub3A_20 = arith.subf %add3A_14, %sub3A : vector<10000x2xf32>
    %integer_pow3A = arith.mulf %sub3A_20, %sub3A_20 : vector<10000x2xf32>
    %reduce_sum3A_21 = arith.constant dense<0.000000e+00> : vector<2xf32>
    %reduce_sum3A_22 = vector.multi_reduction <add>, %integer_pow3A, %reduce_sum3A_21 [0] : vector<10000x2xf32> to vector<2xf32>
    %broadcast_in_dim3A_23 = vector.shape_cast %reduce_sum3A_22 : vector<2xf32> to vector<1x2xf32>
    %div3A_24 = arith.constant 1.000000e+04 : f32
    %div3A_25 = vector.broadcast %div3A_24 : f32 to vector<1x2xf32>
    %div3A_26 = arith.divf %broadcast_in_dim3A_23, %div3A_25 : vector<1x2xf32>
    %sub3A_27 = vector.broadcast %div3A_19 : vector<1x2xf32> to vector<10000x2xf32>
    %sub3A_28 = arith.subf %add3A_14, %sub3A_27 : vector<10000x2xf32>
    %add3A_29 = arith.constant 9.99999974E-6 : f32
    %add3A_30 = vector.broadcast %add3A_29 : f32 to vector<1x2xf32>
    %add3A_31 = arith.addf %div3A_26, %add3A_30 : vector<1x2xf32>
    %rsqrt3A = math.rsqrt %add3A_31 : vector<1x2xf32>
    %mul3A_32 = vector.broadcast %rsqrt3A : vector<1x2xf32> to vector<10000x2xf32>
    %mul3A_33 = arith.mulf %sub3A_28, %mul3A_32 : vector<10000x2xf32>
    %get3A_34 = arith.constant 0 : index
    %get3A_35 = vector.load %arg4[%get3A_34] : memref<2xf32, #tpu.memory_space<vmem>>, vector<2xf32>
    %broadcast_in_dim3A_36 = vector.shape_cast %get3A_35 : vector<2xf32> to vector<1x2xf32>
    %mul3A_37 = vector.broadcast %broadcast_in_dim3A_36 : vector<1x2xf32> to vector<10000x2xf32>
    %mul3A_38 = arith.mulf %mul3A_33, %mul3A_37 : vector<10000x2xf32>
    %get3A_39 = arith.constant 0 : index
    %get3A_40 = vector.load %arg5[%get3A_39] : memref<2xf32, #tpu.memory_space<vmem>>, vector<2xf32>
    %broadcast_in_dim3A_41 = vector.shape_cast %get3A_40 : vector<2xf32> to vector<1x2xf32>
    %add3A_42 = vector.broadcast %broadcast_in_dim3A_41 : vector<1x2xf32> to vector<10000x2xf32>
    %add3A_43 = arith.addf %mul3A_38, %add3A_42 : vector<10000x2xf32>
    %get3A_44 = arith.constant 0 : index
    %get3A_45 = arith.constant 0 : index
    %get3A_46 = vector.load %arg6[%get3A_44, %get3A_45] : memref<2x128xf32, #tpu.memory_space<vmem>>, vector<2x128xf32>
    %dot_general3A = arith.constant dense<0.000000e+00> : vector<10000x128xf32>
    %dot_general3A_47 = tpu.matmul %add3A_43, %get3A_46, %dot_general3A {dimension_numbers = #tpu.dot_dimension_numbers<[1], [0], [0], [1], [0, 0, 1, 1], [], []>, transpose_lhs_hint = false} : vector<10000x2xf32>, vector<2x128xf32>, vector<10000x128xf32> -> vector<10000x128xf32>
    %get3A_48 = arith.constant 0 : index
    %get3A_49 = vector.load %arg7[%get3A_48] : memref<128xf32, #tpu.memory_space<vmem>>, vector<128xf32>
    %broadcast_in_dim3A_50 = vector.shape_cast %get3A_49 : vector<128xf32> to vector<1x128xf32>
    %add3A_51 = vector.broadcast %broadcast_in_dim3A_50 : vector<1x128xf32> to vector<10000x128xf32>
    %add3A_52 = arith.addf %dot_general3A_47, %add3A_51 : vector<10000x128xf32>
    %swap3A = arith.constant 0 : index
    %swap3A_53 = arith.constant 0 : index
    %swap3A_54 = vector.load %arg8[%swap3A, %swap3A_53] : memref<10000x128xf32, #tpu.memory_space<vmem>>, vector<10000x128xf32>
    tpu.vector_store %arg8[%swap3A, %swap3A_53], %add3A_52 {strides = array<i32>} : memref<10000x128xf32, #tpu.memory_space<vmem>>, vector<10000x128xf32>,
    return
  }
}

</mosaic_0001>

<sc_bundles>
// kernel: kernel.11.cloned.1.call-start
scs
__scs_entry_jumppad:
0x0: {  	(pc) =	sbr.rel $0x88, $3  }
0x1: {  	(tag) =	ssettag $0x0;
	lr =	simm.s32 $0x1  }
0x2: {  	[smem:$0x3F95] =	sst lr;
	_ =	strace $0xD0000000  }
0x3: {  	_ = 	snop  }
0x4: {  	_ = 	snop  }
0x5: {  	_ = 	snop  }
0x6: {  	_ = 	snop  }
0x7: {  	_ = 	snop  }
__scs_overlays_trampoline_lowered:
0x8: {  	[smem:$0x3FA4] =	sst s0  }
0x9: {  	[smem:$0x3FA5] =	sst s1  }
0xa: {  	[smem:$0x3FA6] =	sst s2  }
0xb: {  	[smem:$0x3FA7] =	sst s3  }
0xc: {  	[smem:$0x3FA8] =	sst s4  }
0xd: {  	[smem:$0x3FA9] =	sst s5  }
0xe: {  	[smem:$0x3FAA] =	sst s6  }
0xf: {  	[smem:$0x3FAB] =	sst s7  }
0x10: {  	[smem:$0x3FAC] =	sst s8  }
0x11: {  	[smem:$0x3FAD] =	sst s9;
	s0 =	simm.s32 @!p0 $0x0  }
0x12: {  	s1 =	sld [smem:$0x3F93];
	s0 =	simm.s32 @p0 $0x1  }
0x13: {  	[smem:$0x3FAE] =	sst s0;
	s0 =	simm.s32 @!p1 $0x0  }
0x14: {  	s2 =	sld [smem:$0x3F92];
	s0 =	simm.s32 @p1 $0x1  }
0x15: {  	[smem:$0x3FAF] =	sst s0;
	s0 =	simm.s32 @!p2 $0x0  }
0x16: {  	s3 =	sld [smem:$0x3FDB];
	s0 =	simm.s32 @p2 $0x1  }
0x17: {  	s4 =	simm.s32 $0x1BF5;
	[smem:$0x3FB1] =	sst s0  }
0x18: {  	s0 =	sld [smem:$0x3F94];
	_ =	swait.ge [sflag:s4], $0x0  }
0x19: {  	s7 =	sld [smem:$0x3F95]  }
0x1a: {  	s8 =	sadd.s32 $0xFFFFE003, lr  }
0x1b: {  	s9 =	sadd.s32 $0xFFFFFEF7, lr;
	s5 =	simm.s32 $0xFFFFFFFF;
	p2 =	slt.u32 s8, $0xFFFFF086  }
0x1c: {  	p1 =	slt.u32 s9, $0xF7A;
	s5 =	simm.s32 @!p2 $0x0  }
0x1d: {  	s5 =	simm.s32 @p1 $0x1;
	p0 =	seq.s32 s7, s2  }
0x1e: {  	s7 =	smul.u32 @!p0 $0xF7A, s2;
	p2 =	seq.s32 @!p0 s5, $0x0  }
0x1f: {  	s9 =	smul.u32 $0xF7A, s1;
	s8 =	simm.s32 @!p0 $0x1BF5;
	p2 =	por !p2, p0  }
0x20: {  	[sflag:s8] =	ssyncset.s32 @!p0 $0xFFFFF086;
	s6 =	sadd.s32 @!p0 s3, s7;
	s7 =	simm.s32 @!p0 $0x108  }
0x21: {  	s3 =	sadd.s32 s3, s9;
	s6 =	sadd.s32 @!p0 $0x88, s6;
	s7 =	simm.s32 @p2 $0x1082  }
0x22: {  	[simem:s7], [sflag:s8] =	dma.local @!p0 [hbm:s6], $0xF7A  }
0x23: {  	s9 =	sor.u32 $0xD0000000, s2;
	s6 =	simm.s32 $0x108;
	_ =	swait.ge @!p0 [sflag:s8], $0x0  }
0x24: {  	s3 =	sadd.s32 $0x88, s3;
	s6 =	simm.s32 @!p1 $0x1082;
	[sflag:s4] =	ssyncset.s32 $0xFFFFF086  }
0x25: {  	[simem:s6], [sflag:s4] =	dma.local [hbm:s3], $0xF7A  }
0x26: {  	[smem:$0x3F95] =	sst s1;
	(tag) =	ssettag s2;
	_ =	strace s9  }
0x27: {  	s1 =	sld [smem:$0x3FA5]  }
0x28: {  	s2 =	sld [smem:$0x3FA6]  }
0x29: {  	s4 =	sld [smem:$0x3FA8]  }
0x2a: {  	p0 =	seq.s32 s5, $0x0;
	s5 =	sld [smem:$0x3FA9]  }
0x2b: {  	s6 =	sld [smem:$0x3FAA]  }
0x2c: {  	s7 =	sld [smem:$0x3FAB]  }
0x2d: {  	s3 =	simm.s32 $0x108;
	s8 =	sld [smem:$0x3FAC]  }
0x2e: {  	s3 =	simm.s32 @!p0 $0x1082;
	s9 =	sld [smem:$0x3FAD]  }
0x2f: {  	lr =	sadd.s32 s0, s3;
	s0 =	sld [smem:$0x3FA4]  }
0x30: {  	s3 =	sld [smem:$0x3FA7]  }
0x31: {  	[smem:$0x3FB0] =	sst s10  }
0x32: {  	s10 =	sld [smem:$0x3FAE];
	_ =	sdelay $0x3  }
0x33: {  	p0 =	seq.s32 s10, $0x1;
	s10 =	sld [smem:$0x3FB0];
	_ =	sdelay $0x3  }
0x34: {  	[smem:$0x3FB0] =	sst s10  }
0x35: {  	s10 =	sld [smem:$0x3FAF];
	_ =	sdelay $0x3  }
0x36: {  	p1 =	seq.s32 s10, $0x1;
	s10 =	sld [smem:$0x3FB0];
	_ =	sdelay $0x3  }
0x37: {  	[smem:$0x3FB0] =	sst s10  }
0x38: {  	s10 =	sld [smem:$0x3FB1]  }
0x39: {  	_ = 	snop;
	(pc) =	sbr.ind lr, $3  }
0x3a: {  	_ = 	snop  }
0x3b: {  	_ = 	snop  }
0x3c: {  	p2 =	seq.s32 s10, $0x1;
	s10 =	sld [smem:$0x3FB0]  }
0x3d: {  	_ =	shalt  }
0x3e: {  	_ =	shalt  }
0x3f: {  	_ =	shalt  }
0x40: {  	_ =	shalt  }
0x41: {  	_ =	shalt  }
0x42: {  	_ =	shalt  }
0x43: {  	_ =	shalt  }
0x44: {  	_ =	shalt  }
0x45: {  	_ =	shalt  }
0x46: {  	_ =	shalt  }
0x47: {  	_ =	shalt  }
0x48: {  	_ =	shalt  }
0x49: {  	_ =	shalt  }
0x4a: {  	_ =	shalt  }
0x4b: {  	_ =	shalt  }
0x4c: {  	_ =	shalt  }
0x4d: {  	_ =	shalt  }
0x4e: {  	_ =	shalt  }
0x4f: {  	_ =	shalt  }
0x50: {  	_ =	shalt  }
0x51: {  	_ =	shalt  }
0x52: {  	_ =	shalt  }
0x53: {  	_ =	shalt  }
0x54: {  	_ =	shalt  }
0x55: {  	_ =	shalt  }
0x56: {  	_ =	shalt  }
0x57: {  	_ =	shalt  }
0x58: {  	_ =	shalt  }
0x59: {  	_ =	shalt  }
0x5a: {  	_ =	shalt  }
0x5b: {  	_ =	shalt  }
0x5c: {  	_ =	shalt  }
0x5d: {  	_ =	shalt  }
0x5e: {  	_ =	shalt  }
0x5f: {  	_ =	shalt  }
0x60: {  	_ =	shalt  }
0x61: {  	_ =	shalt  }
0x62: {  	_ =	shalt  }
0x63: {  	_ =	shalt  }
0x64: {  	_ =	shalt  }
0x65: {  	_ =	shalt  }
0x66: {  	_ =	shalt  }
0x67: {  	_ =	shalt  }
0x68: {  	_ =	shalt  }
0x69: {  	_ =	shalt  }
0x6a: {  	_ =	shalt  }
0x6b: {  	_ =	shalt  }
0x6c: {  	_ =	shalt  }
0x6d: {  	_ =	shalt  }
0x6e: {  	_ =	shalt  }
0x6f: {  	_ =	shalt  }
0x70: {  	_ =	shalt  }
0x71: {  	_ =	shalt  }
0x72: {  	_ =	shalt  }
0x73: {  	_ =	shalt  }
0x74: {  	_ =	shalt  }
0x75: {  	_ =	shalt  }
0x76: {  	_ =	shalt  }
0x77: {  	_ =	shalt  }
0x78: {  	_ =	shalt  }
0x79: {  	_ =	shalt  }
0x7a: {  	_ =	shalt  }
0x7b: {  	_ =	shalt  }
0x7c: {  	_ =	shalt  }
0x7d: {  	_ =	shalt  }
0x7e: {  	_ =	shalt  }
0x7f: {  	_ =	shalt  }
0x80: {  	_ =	shalt  }
0x81: {  	_ =	shalt  }
0x82: {  	_ =	shalt  }
0x83: {  	_ =	shalt  }
0x84: {  	_ =	shalt  }
0x85: {  	_ =	shalt  }
0x86: {  	_ =	shalt  }
0x87: {  	_ =	shalt  }
.Lfunc_end0:
.L_simem_size_0:
called_computation.1_lowered:
.L_overlay_start_0:
0x88: {  	s2 =	sld [smem:$0x3FD9]  }
0x89: {  	s3 =	sld [smem:$0x3FFE];
	_ =	sdelay $0x1  }
0x8a: {  	s1 =	srdreg.scid  }
0x8b: {  	s0 =	sand.u32 $0x1, s1  }
0x8c: {  	s17 =	sshll.u32 s0, $0xA;
	s2 =	sadd.s32 s3, s2  }
0x8d: {  	s2 =	sadd.s32 s2, s17  }
0x8e: {  	[smem:$0x3FBC] =	sst s2  }
0x8f: {  	_ = 	snop  }
0x90: {  	s2 =	sld [smem:$0x3FD0];
	(tm) =	ssettm $0x1  }
0x91: {  	s18 =	sld [smem:$0x3FFB];
	_ =	sdelay $0x3  }
0x92: {  	_ =	strace s18  }
0x93: {  	s3 =	sld [smem:$0x3FFC];
	_ =	sdelay $0x3  }
0x94: {  	_ =	strace s3  }
0x95: {  	s3 =	sld [smem:$0x3FFD];
	_ =	sdelay $0x3  }
0x96: {  	_ =	strace s3  }
0x97: {  	_ =	strace $0x8FFFFFFF  }
0x98: {  	s19 =	sld [smem:$0x3FDB];
	_ =	sdelay $0x1  }
0x99: {  	s4 =	simm.s32 $_scs_section_size  }
0x9a: {  	s5 =	simm.s32 $_size__tile_overlayer_lowered;
	s6 =	simm.s32 $_tile_overlayer_lowered  }
0x9b: {  	s22 =	simm.s32 $0x1BFF;
	s21 =	sshll.u32 s6, $0x1;
	s3 =	sadd.s32 s4, s19  }
0x9c: {  	s7 =	simm.s32 $0x0;
	s20 =	sshll.u32 s5, $0x1;
	s5 =	sadd.s32 s21, s3  }
0x9d: {  	[timem:s7], [sflag:s22] =	dma.local [hbm:s5], s20  }
0x9e: {  	_ =	swait.ge [sflag:s22], s20  }
0x9f: {  	s4 =	ssub.s32 $0x0, s20;
	[sflag:s22] =	ssyncset.done $0x0  }
0xa0: {  	[sflag:s22] =	ssyncadd.s32 s4;
	_ =	sdelay $0x1  }
0xa1: {  	s23 =	simm.s32 $0x1B8B  }
0xa2: {  	_ =	swait.ge [sflag:s23], $0x1  }
0xa3: {  	[sflag:s23] =	ssyncset.done $0x0  }
0xa4: {  	s25 =	simm.s32 $0x1B8E;
	s24 =	sld [smem:$0x3FFE];
	[sflag:s23] =	ssyncadd.s32 $0xFFFFFFFF  }
0xa5: {  	s26 =	simm.s32 $execute0_lowered;
	[smem:$0x3FD2] =	sst s25  }
0xa6: {  	s5 =	sshll.u32 s26, $0x1;
	_ =	strace $0x80000049;
	[dreg:$0x1] =	wrdreg $0xFFFFFFFF  }
0xa7: {  	s28 =	simm.s32 $_size_execute0_lowered;
	s3 =	sadd.s32 s3, s5;
	[dreg:$0x0] =	wrdreg $0x0  }
0xa8: {  	s5 =	sshll.u32 s28, $0x1;
	[dreg:$0x2] =	wrdreg s3  }
0xa9: {  	[dreg:$0x3] =	wrdreg s5  }
0xaa: {  	[dreg:$0x4] =	wrdreg $0xC0  }
0xab: {  	_ =	task [dreg:s7], $0x5FFFF  }
0xac: {  	[dreg:$0x1] =	wrdreg $0xFFFFFFFF  }
0xad: {  	[dreg:$0x0] =	wrdreg $0x60  }
0xae: {  	[dreg:$0x2] =	wrdreg s2  }
0xaf: {  	[dreg:$0x3] =	wrdreg s24  }
0xb0: {  	[dreg:$0x4] =	wrdreg $0x10C400  }
0xb1: {  	[dreg:$0x5] =	wrdreg $0x9  }
0xb2: {  	_ =	task.clear_ibuf [dreg:s7], $0x6FFFF;
	_ =	strace $0x90000049  }
0xb3: {  	s29 =	simm.s32 $0x9;
	_ =	strace $0x8000004B  }
0xb4: {  	_ =	swait.ge [sflag:s29], $0x1  }
0xb5: {  	[sflag:s29] =	ssyncadd.s32 $0xFFFFFFFF  }
0xb6: {  	_ =	strace $0x9000004B  }
0xb7: {  	_ =	sfence  }
0xb8: {  	s30 =	sld [smem:$0x0];
	_ =	sdelay $0x2  }
0xb9: {  	s31 =	sshll.u32 s1, $0xD;
	s1 =	sshrl.u32 s1, $0x2  }
0xba: {  	s3 =	sand.u32 $0x4000, s31;
	s1 =	sadd.s32 s1, s30  }
0xbb: {  	s0 =	sor.u32 s3, s0;
	s1 =	sshll.u32 s1, $0x11  }
0xbc: {  	s0 =	sor.u32 s1, s0  }
0xbd: {  	s0 =	sadd.s32 $0x8F2B, s0  }
0xbe: {  	[sflag:s0] =	ssyncadd.remote.s32 $0x1  }
0xbf: {  	_ =	sfence.sel $0xFFFF  }
0xc0: {  	[dreg:$0x0] =	wrdreg $0xFFFFFFFF;
	(pc) =	sbr.abs _section_cstart, $3  }
0xc1: {  	[dreg:$0x1] =	wrdreg $0xFFFFFFFF  }
0xc2: {  	_ =	task.clear_ibuf [dreg:s7], $0x2FFFF;
	_ =	strace $0x9FFFFFFF  }
0xc3: {  	(tm) =	ssettm $0x7FFFFFFF  }
tec
execute0_lowered:
.L_overlay_start_1:
0x0: {  	(tag) =	ssettag $0x1  }
0x1: {  	s0 =	rddreg [dreg:$0x0]  }
0x2: {  	s2 =	rddreg [dreg:$0x1]  }
0x3: {  	s1 =	rddreg [dreg:$0x2]  }
0x4: {  	s3 =	srdreg.scid;
	s10 =	stileid.u32;
	s28 =	simm.s32 $0x7  }
0x5: {  	s29 =	simm.s32 $0x7D;
	s30 =	simm.s32 $0x5000;
	s31 =	simm.s32 $0xCD00  }
0x6: {  	s5 =	sand.u32 $0x1, s3;
	s3 =	simm.s32 $0x0;
	s9 =	smul.u32 $0x28000, s10  }
0x7: {  	s26 =	smul.u32 $0xA000, s10;
	s4 =	sshll.u32 s5, $0x4;
	[smem:$0x7FF] =	sst s3  }
0x8: {  	s6 =	ssub.s32 $0x2, s5;
	s11 =	smul.u32 $0xA0000, s5;
	s4 =	sor.u32 s10, s4  }
0x9: {  	_ =	strace $0x8000004A;
	s8 =	sshrl.u32 s6, $0x1;
	s25 =	sshrl.u32 s9, $0x2  }
0xa: {  	s12 =	sadd.s32 s26, s1;
	s17 =	sadd.s32 $0x2000, s26;
	s22 =	sadd.s32 $0x4000, s26  }
0xb: {  	s24 =	sadd.s32 $0x6000, s26;
	s9 =	simm.s32 $0x3;
	s10 =	simm.s32 $0x4  }
0xc: {  	s7 =	smul.u32 $0x2800, s4;
	s4 =	sadd.s32 $0x16800, s2;
	s2 =	sadd.s32 $0x2A800, s2  }
0xd: {  	s6 =	ssub.s32 s6, s8;
	[dreg:$0x6] =	wrdreg s12;
	s16 =	sadd.s32 s11, s26  }
0xe: {  	s19 =	sadd.s32 s11, s17;
	s23 =	sadd.s32 s22, s1;
	s8 =	sadd.s32 $0x8000, s26  }
0xf: {  	s12 =	simm.s32 $0x9;
	s13 =	smax.u32 s6, $0x1;
	s5 =	sshrl.u32 s16, $0x3  }
0x10: {  	s21 =	sshrl.u32 s19, $0x3;
	s6 =	sadd.s32 s17, s1;
	[dreg:$0xf] =	wrdreg s23  }
0x11: {  	s23 =	simm.s32 $0x8E80;
	s16 =	simm.s32 $0x0;
	[dreg:$0x7] =	wrdreg s13  }
0x12: {  	s7 =	sshrl.u32 s7, $0x3;
	s5 =	sadd.s32 s2, s5;
	[dreg:$0xd] =	wrdreg s6  }
0x13: {  	s6 =	sadd.s32 s24, s1;
	s13 =	simm.s32 $0xA;
	s7 =	sadd.s32 s0, s7  }
0x14: {  	[dreg:$0xc] =	wrdreg s5;
	s5 =	sadd.s32 s2, s21;
	s0 =	sadd.s32 s11, s8  }
0x15: {  	[dreg:$0x11] =	wrdreg s6;
	s21 =	sadd.s32 s8, s1;
	s6 =	simm.s32 $0x1  }
0x16: {  	s8 =	simm.s32 $0x2;
	[dreg:$0x4] =	wrdreg s7;
	s7 =	sadd.s32 $0xA000, s7  }
0x17: {  	[dreg:$0xe] =	wrdreg s5;
	s5 =	sadd.s32 s11, s22;
	s0 =	sshrl.u32 s0, $0x3  }
0x18: {  	[dreg:$0x5] =	wrdreg s7;
	s7 =	sadd.s32 s25, s1;
	s5 =	sshrl.u32 s5, $0x3  }
0x19: {  	s25 =	sadd.s32 s11, s24;
	s22 =	sadd.s32 s2, s0;
	s14 =	sadd.s32 $0x2000, s7  }
0x1a: {  	s24 =	simm.s32 $0xEC40;
	s15 =	sadd.s32 $0x4000, s7;
	[dreg:$0x8] =	wrdreg s14  }
0x1b: {  	s0 =	simm.s32 $0x6F40;
	s18 =	sadd.s32 $0x6000, s7;
	[dreg:$0x9] =	wrdreg s15  }
0x1c: {  	s11 =	simm.s32 $0x5;
	s20 =	sadd.s32 $0x8000, s7;
	[dreg:$0xa] =	wrdreg s18  }
0x1d: {  	s5 =	sadd.s32 s2, s5;
	s26 =	sshrl.u32 s25, $0x3;
	[dreg:$0xb] =	wrdreg s20  }
0x1e: {  	s25 =	simm.s32 $0xD;
	[dreg:$0x10] =	wrdreg s5;
	s5 =	sadd.s32 s2, s26  }
0x1f: {  	s26 =	simm.s32 $0x6;
	s2 =	simm.s32 $0xADC0;
	s14 =	simm.s32 $0xB  }
0x20: {  	v0 =	vimm.f32 $0.0e+00;
	s15 =	simm.s32 $0xC;
	[dreg:$0x12] =	wrdreg s5;
	s5 =	simm.s32 $0x8  }
.LBB2_1:
0x21: {  	s17 =	rddreg [dreg:$0x4]  }
0x22: {  	[tilespmem:s3], [sflag:$0x6] =	stream.linear.gather [hbm4b:s17+s3], $0x2800, $0x38;
	[tilespmem:$0x1AC40] =	vst v63  }
0x23: {  	s20 =	rddreg [dreg:$0x5];
	s18 =	simm.s32 $0x2800;
	s19 =	sand.u32 $0x7F00, s3  }
0x24: {  	[tilespmem:s18], [sflag:$0x7] =	stream.linear.gather [hbm4b:s20+s3], $0x2800, $0x38;
	[tilespmem:$0x1AC40] =	vst v63  }
0x25: {  	s19 =	sshrl.u32 s19, $0x2;
	s20 =	sand.u32 $0x30, s3  }
0x26: {  	s17 =	simm.s32 $0x40;
	s18 =	simm.s32 $0x0;
	s19 =	sor.u32 s20, s19  }
.LBB2_2:
0x27: {  	p0 =	sne.s32 s17, $0x7FC0  }
0x28: {  	[tilespmem:s19+$0xEC40] =	vst v0;
	s18 =	sadd.s32 $0x10, s18;
	s19 =	smov.u32 s17;
	s17 =	sadd.s32 $0x40, s17  }
.Ltmp0:
0x29: {  	(pc) =	sbr.rel @p0 .LBB2_2-.Ltmp0, $4  }
0x2a: {  	_ = 	snop  }
0x2b: {  	s19 =	sand.u32 $0x7F00, s19  }
0x2c: {  	s20 =	sand.u32 $0x30, s18;
	s19 =	sshrl.u32 s19, $0x2  }
0x2d: {  	s19 =	sor.u32 s20, s19  }
0x2e: {  	[tilespmem:s19+$0xEC40] =	vst v0  }
0x2f: {  	[spmem:s7] =	stream.linear.scatter [tilespmem:s24], [sflag:$0xD], $0x2000, $0x38;
	[tilespmem:$0x1AC40] =	vst v63  }
0x30: {  	_ =	swait.ge [sflag:s25], $0x2000  }
0x31: {  	[sflag:s25] =	ssyncset.done $0x0  }
0x32: {  	s17 =	rddreg [dreg:$0x8];
	[sflag:s25] =	ssyncadd.s32 $0xFFFFE000  }
0x33: {  	[spmem:s17] =	stream.linear.scatter [tilespmem:s24], [sflag:$0xD], $0x2000, $0x38;
	[tilespmem:$0x1AC40] =	vst v63  }
0x34: {  	_ =	swait.ge [sflag:s25], $0x2000  }
0x35: {  	[sflag:s25] =	ssyncset.done $0x0  }
0x36: {  	s19 =	rddreg [dreg:$0x9];
	[sflag:s25] =	ssyncadd.s32 $0xFFFFE000  }
0x37: {  	[spmem:s19] =	stream.linear.scatter [tilespmem:s24], [sflag:$0xD], $0x2000, $0x38;
	[tilespmem:$0x1AC40] =	vst v63  }
0x38: {  	_ =	swait.ge [sflag:s25], $0x2000  }
0x39: {  	[sflag:s25] =	ssyncset.done $0x0  }
0x3a: {  	s20 =	rddreg [dreg:$0xa];
	[sflag:s25] =	ssyncadd.s32 $0xFFFFE000  }
0x3b: {  	[spmem:s20] =	stream.linear.scatter [tilespmem:s24], [sflag:$0xD], $0x2000, $0x38;
	[tilespmem:$0x1AC40] =	vst v63  }
0x3c: {  	_ =	swait.ge [sflag:s25], $0x2000  }
0x3d: {  	[sflag:s25] =	ssyncset.done $0x0  }
0x3e: {  	s18 =	rddreg [dreg:$0xb];
	[sflag:s25] =	ssyncadd.s32 $0xFFFFE000  }
0x3f: {  	[spmem:s18] =	stream.linear.scatter [tilespmem:s24], [sflag:$0xD], $0x2000, $0x38;
	[tilespmem:$0x1AC40] =	vst v63  }
0x40: {  	_ =	swait.ge [sflag:s25], $0x2000  }
0x41: {  	[sflag:s25] =	ssyncset.done $0x0  }
0x42: {  	[sflag:s25] =	ssyncadd.s32 $0xFFFFE000  }
0x43: {  	_ =	swait.ge [sflag:s26], $0x2800  }
0x44: {  	[sflag:s26] =	ssyncset.done $0x0  }
0x45: {  	[sflag:s26] =	ssyncadd.s32 $0xFFFFD800  }
0x46: {  	_ =	swait.ge [sflag:s28], $0x2800  }
0x47: {  	[sflag:s28] =	ssyncset.done $0x0  }
0x48: {  	[sflag:s28] =	ssyncadd.s32 $0xFFFFD800  }
0x49: {  	s19 =	simm.s32 $0x0;
	[bflag:$0x0] =	sbarrier.arrive $0xFFFF  }
0x4a: {  	[tilespmem:s30], [sflag:$0x1] =	stream.indirect.gather [hbm4b:s4+s29], $0x40, s19, s29, $0xb8;
	[tilespmem:$0x1AC40] =	vst v63  }
0x4b: {  	s20 =	simm.s32 $0x80  }
0x4c: {  	[tilespmem:s0], [sflag:$0x2] =	stream.indirect.gather [hbm4b:s4+s29], $0x40, s20, s29, $0xb8;
	[tilespmem:$0x1AC40] =	vst v63  }
0x4d: {  	s18 =	simm.s32 $0x100  }
0x4e: {  	[tilespmem:s23], [sflag:$0x3] =	stream.indirect.gather [hbm4b:s4+s29], $0x40, s18, s29, $0xb8;
	[tilespmem:$0x1AC40] =	vst v63  }
0x4f: {  	s19 =	simm.s32 $0x180  }
0x50: {  	[tilespmem:s2], [sflag:$0x4] =	stream.indirect.gather [hbm4b:s4+s29], $0x40, s19, s29, $0xb8;
	[tilespmem:$0x1AC40] =	vst v63  }
0x51: {  	s20 =	simm.s32 $0x200  }
0x52: {  	[tilespmem:s31], [sflag:$0x5] =	stream.indirect.gather [hbm4b:s4+s29], $0x40, s20, s29, $0xb8;
	[tilespmem:$0x1AC40] =	vst v63  }
0x53: {  	_ =	swait.ge [sflag:s6], $0x1F40  }
0x54: {  	[sflag:s6] =	ssyncset.done $0x0  }
0x55: {  	s18 =	simm.s32 $0x2800;
	[sflag:s6] =	ssyncadd.s32 $0xFFFFE0C0  }
0x56: {  	[spmem:s1] =	stream.indirect.scatter.add.f32 [tilespmem:s30], [sflag:$0x8], $0x40, s18, s29, $0xb8;
	[tilespmem:$0x1AC40] =	vst v63  }
0x57: {  	_ =	swait.ge [sflag:s8], $0x1F40  }
0x58: {  	[sflag:s8] =	ssyncset.done $0x0  }
0x59: {  	s19 =	simm.s32 $0x2880;
	[sflag:s8] =	ssyncadd.s32 $0xFFFFE0C0  }
0x5a: {  	[spmem:s1] =	stream.indirect.scatter.add.f32 [tilespmem:s0], [sflag:$0x9], $0x40, s19, s29, $0xb8;
	[tilespmem:$0x1AC40] =	vst v63  }
0x5b: {  	_ =	swait.ge [sflag:s9], $0x1F40  }
0x5c: {  	[sflag:s9] =	ssyncset.done $0x0  }
0x5d: {  	s20 =	simm.s32 $0x2900;
	[sflag:s9] =	ssyncadd.s32 $0xFFFFE0C0  }
0x5e: {  	[spmem:s1] =	stream.indirect.scatter.add.f32 [tilespmem:s23], [sflag:$0xA], $0x40, s20, s29, $0xb8;
	[tilespmem:$0x1AC40] =	vst v63  }
0x5f: {  	_ =	swait.ge [sflag:s10], $0x1F40  }
0x60: {  	[sflag:s10] =	ssyncset.done $0x0  }
0x61: {  	s18 =	simm.s32 $0x2980;
	[sflag:s10] =	ssyncadd.s32 $0xFFFFE0C0  }
0x62: {  	[spmem:s1] =	stream.indirect.scatter.add.f32 [tilespmem:s2], [sflag:$0xB], $0x40, s18, s29, $0xb8;
	[tilespmem:$0x1AC40] =	vst v63  }
0x63: {  	_ =	swait.ge [sflag:s11], $0x1F40  }
0x64: {  	[sflag:s11] =	ssyncset.done $0x0  }
0x65: {  	s19 =	simm.s32 $0x2A00;
	[sflag:s11] =	ssyncadd.s32 $0xFFFFE0C0  }
0x66: {  	[spmem:s1] =	stream.indirect.scatter.add.f32 [tilespmem:s31], [sflag:$0xC], $0x40, s19, s29, $0xb8;
	[tilespmem:$0x1AC40] =	vst v63  }
0x67: {  	_ =	swait.ge [sflag:s5], $0x1F40  }
0x68: {  	[sflag:s5] =	ssyncset.done $0x0  }
0x69: {  	s20 =	simm.s32 $0x280;
	[sflag:s5] =	ssyncadd.s32 $0xFFFFE0C0  }
0x6a: {  	[tilespmem:s30], [sflag:$0x1] =	stream.indirect.gather [hbm4b:s4+s29], $0x40, s20, s29, $0xb8;
	[tilespmem:$0x1AC40] =	vst v63  }
0x6b: {  	_ =	swait.ge [sflag:s12], $0x1F40  }
0x6c: {  	[sflag:s12] =	ssyncset.done $0x0  }
0x6d: {  	s18 =	simm.s32 $0x300;
	[sflag:s12] =	ssyncadd.s32 $0xFFFFE0C0  }
0x6e: {  	[tilespmem:s0], [sflag:$0x2] =	stream.indirect.gather [hbm4b:s4+s29], $0x40, s18, s29, $0xb8;
	[tilespmem:$0x1AC40] =	vst v63  }
0x6f: {  	_ =	swait.ge [sflag:s13], $0x1F40  }
0x70: {  	[sflag:s13] =	ssyncset.done $0x0  }
0x71: {  	s19 =	simm.s32 $0x380;
	[sflag:s13] =	ssyncadd.s32 $0xFFFFE0C0  }
0x72: {  	[tilespmem:s23], [sflag:$0x3] =	stream.indirect.gather [hbm4b:s4+s29], $0x40, s19, s29, $0xb8;
	[tilespmem:$0x1AC40] =	vst v63  }
0x73: {  	_ =	swait.ge [sflag:s14], $0x1F40  }
0x74: {  	[sflag:s14] =	ssyncset.done $0x0  }
0x75: {  	s20 =	simm.s32 $0x400;
	[sflag:s14] =	ssyncadd.s32 $0xFFFFE0C0  }
0x76: {  	[tilespmem:s2], [sflag:$0x4] =	stream.indirect.gather [hbm4b:s4+s29], $0x40, s20, s29, $0xb8;
	[tilespmem:$0x1AC40] =	vst v63  }
0x77: {  	_ =	swait.ge [sflag:s15], $0x1F40  }
0x78: {  	[sflag:s15] =	ssyncset.done $0x0  }
0x79: {  	s17 =	simm.s32 $0xA00;
	s18 =	simm.s32 $0x480;
	[sflag:s15] =	ssyncadd.s32 $0xFFFFE0C0  }
.LBB2_4:
0x7a: {  	[tilespmem:s31], [sflag:$0x5] =	stream.indirect.gather [hbm4b:s4+s29], $0x40, s18, s29, $0xb8;
	[tilespmem:$0x1AC40] =	vst v63  }
0x7b: {  	s18 =	smov.u32 s17  }
0x7c: {  	p0 =	sne.s32 s17, $0x8C00;
	s17 =	sadd.s32 $0xA00, s17;
	_ =	swait.ge [sflag:s6], $0x1F40  }
0x7d: {  	s18 =	sshra.s32 s18, $0x2;
	[sflag:s6] =	ssyncset.done $0x0  }
0x7e: {  	s19 =	sadd.s32 $0x2800, s18;
	[sflag:s6] =	ssyncadd.s32 $0xFFFFE0C0  }
0x7f: {  	[spmem:s1] =	stream.indirect.scatter.add.f32 [tilespmem:s30], [sflag:$0x8], $0x40, s19, s29, $0xb8;
	[tilespmem:$0x1AC40] =	vst v63  }
0x80: {  	_ =	swait.ge [sflag:s8], $0x1F40  }
0x81: {  	[sflag:s8] =	ssyncset.done $0x0  }
0x82: {  	s19 =	sadd.s32 $0x2880, s18;
	[sflag:s8] =	ssyncadd.s32 $0xFFFFE0C0  }
0x83: {  	[spmem:s1] =	stream.indirect.scatter.add.f32 [tilespmem:s0], [sflag:$0x9], $0x40, s19, s29, $0xb8;
	[tilespmem:$0x1AC40] =	vst v63  }
0x84: {  	_ =	swait.ge [sflag:s9], $0x1F40  }
0x85: {  	[sflag:s9] =	ssyncset.done $0x0  }
0x86: {  	s19 =	sadd.s32 $0x2900, s18;
	[sflag:s9] =	ssyncadd.s32 $0xFFFFE0C0  }
0x87: {  	[spmem:s1] =	stream.indirect.scatter.add.f32 [tilespmem:s23], [sflag:$0xA], $0x40, s19, s29, $0xb8;
	[tilespmem:$0x1AC40] =	vst v63  }
0x88: {  	_ =	swait.ge [sflag:s10], $0x1F40  }
0x89: {  	[sflag:s10] =	ssyncset.done $0x0  }
0x8a: {  	s19 =	sadd.s32 $0x2980, s18;
	[sflag:s10] =	ssyncadd.s32 $0xFFFFE0C0  }
0x8b: {  	[spmem:s1] =	stream.indirect.scatter.add.f32 [tilespmem:s2], [sflag:$0xB], $0x40, s19, s29, $0xb8;
	[tilespmem:$0x1AC40] =	vst v63  }
0x8c: {  	_ =	swait.ge [sflag:s11], $0x1F40  }
0x8d: {  	[sflag:s11] =	ssyncset.done $0x0  }
0x8e: {  	s19 =	sadd.s32 $0x2A00, s18;
	[sflag:s11] =	ssyncadd.s32 $0xFFFFE0C0  }
0x8f: {  	[spmem:s1] =	stream.indirect.scatter.add.f32 [tilespmem:s31], [sflag:$0xC], $0x40, s19, s29, $0xb8;
	[tilespmem:$0x1AC40] =	vst v63  }
0x90: {  	_ =	swait.ge [sflag:s5], $0x1F40  }
0x91: {  	[sflag:s5] =	ssyncset.done $0x0  }
0x92: {  	s19 =	sadd.s32 $0x280, s18;
	[sflag:s5] =	ssyncadd.s32 $0xFFFFE0C0  }
0x93: {  	[tilespmem:s30], [sflag:$0x1] =	stream.indirect.gather [hbm4b:s4+s29], $0x40, s19, s29, $0xb8;
	[tilespmem:$0x1AC40] =	vst v63  }
0x94: {  	_ =	swait.ge [sflag:s12], $0x1F40  }
0x95: {  	[sflag:s12] =	ssyncset.done $0x0  }
0x96: {  	s19 =	sadd.s32 $0x300, s18;
	[sflag:s12] =	ssyncadd.s32 $0xFFFFE0C0  }
0x97: {  	[tilespmem:s0], [sflag:$0x2] =	stream.indirect.gather [hbm4b:s4+s29], $0x40, s19, s29, $0xb8;
	[tilespmem:$0x1AC40] =	vst v63  }
0x98: {  	_ =	swait.ge [sflag:s13], $0x1F40  }
0x99: {  	[sflag:s13] =	ssyncset.done $0x0  }
0x9a: {  	s19 =	sadd.s32 $0x380, s18;
	[sflag:s13] =	ssyncadd.s32 $0xFFFFE0C0  }
0x9b: {  	[tilespmem:s23], [sflag:$0x3] =	stream.indirect.gather [hbm4b:s4+s29], $0x40, s19, s29, $0xb8;
	[tilespmem:$0x1AC40] =	vst v63  }
0x9c: {  	_ =	swait.ge [sflag:s14], $0x1F40  }
0x9d: {  	[sflag:s14] =	ssyncset.done $0x0  }
.Ltmp1:
0x9e: {  	s19 =	sadd.s32 $0x400, s18;
	[sflag:s14] =	ssyncadd.s32 $0xFFFFE0C0;
	(pc) =	sbr.rel @p0 .LBB2_4-.Ltmp1, $4  }
0x9f: {  	[tilespmem:s2], [sflag:$0x4] =	stream.indirect.gather [hbm4b:s4+s29], $0x40, s19, s29, $0xb8;
	[tilespmem:$0x1AC40] =	vst v63  }
0xa0: {  	_ =	swait.ge [sflag:s15], $0x1F40  }
0xa1: {  	[sflag:s15] =	ssyncset.done $0x0  }
0xa2: {  	s18 =	sadd.s32 $0x480, s18;
	[sflag:s15] =	ssyncadd.s32 $0xFFFFE0C0  }
0xa3: {  	[tilespmem:s31], [sflag:$0x5] =	stream.indirect.gather [hbm4b:s4+s29], $0x40, s18, s29, $0xb8;
	[tilespmem:$0x1AC40] =	vst v63  }
0xa4: {  	_ =	swait.ge [sflag:s6], $0x1F40  }
0xa5: {  	[sflag:s6] =	ssyncset.done $0x0  }
0xa6: {  	s17 =	simm.s32 $0x4D80;
	[sflag:s6] =	ssyncadd.s32 $0xFFFFE0C0  }
0xa7: {  	[spmem:s1] =	stream.indirect.scatter.add.f32 [tilespmem:s30], [sflag:$0x8], $0x40, s17, s29, $0xb8;
	[tilespmem:$0x1AC40] =	vst v63  }
0xa8: {  	_ =	swait.ge [sflag:s8], $0x1F40  }
0xa9: {  	[sflag:s8] =	ssyncset.done $0x0  }
0xaa: {  	s20 =	simm.s32 $0x4E00;
	[sflag:s8] =	ssyncadd.s32 $0xFFFFE0C0  }
0xab: {  	[spmem:s1] =	stream.indirect.scatter.add.f32 [tilespmem:s0], [sflag:$0x9], $0x40, s20, s29, $0xb8;
	[tilespmem:$0x1AC40] =	vst v63  }
0xac: {  	_ =	swait.ge [sflag:s9], $0x1F40  }
0xad: {  	[sflag:s9] =	ssyncset.done $0x0  }
0xae: {  	s18 =	simm.s32 $0x4E80;
	[sflag:s9] =	ssyncadd.s32 $0xFFFFE0C0  }
0xaf: {  	[spmem:s1] =	stream.indirect.scatter.add.f32 [tilespmem:s23], [sflag:$0xA], $0x40, s18, s29, $0xb8;
	[tilespmem:$0x1AC40] =	vst v63  }
0xb0: {  	_ =	swait.ge [sflag:s10], $0x1F40  }
0xb1: {  	[sflag:s10] =	ssyncset.done $0x0  }
0xb2: {  	s19 =	simm.s32 $0x4F00;
	[sflag:s10] =	ssyncadd.s32 $0xFFFFE0C0  }
0xb3: {  	[spmem:s1] =	stream.indirect.scatter.add.f32 [tilespmem:s2], [sflag:$0xB], $0x40, s19, s29, $0xb8;
	[tilespmem:$0x1AC40] =	vst v63  }
0xb4: {  	_ =	swait.ge [sflag:s11], $0x1F40  }
0xb5: {  	[sflag:s11] =	ssyncset.done $0x0  }
0xb6: {  	s20 =	simm.s32 $0x4F80;
	[sflag:s11] =	ssyncadd.s32 $0xFFFFE0C0  }
0xb7: {  	[spmem:s1] =	stream.indirect.scatter.add.f32 [tilespmem:s31], [sflag:$0xC], $0x40, s20, s29, $0xb8;
	[tilespmem:$0x1AC40] =	vst v63  }
0xb8: {  	_ =	swait.ge [sflag:s5], $0x1F40  }
0xb9: {  	[sflag:s5] =	ssyncset.done $0x0  }
0xba: {  	[sflag:s5] =	ssyncadd.s32 $0xFFFFE0C0  }
0xbb: {  	_ =	swait.ge [sflag:s12], $0x1F40  }
0xbc: {  	[sflag:s12] =	ssyncset.done $0x0  }
0xbd: {  	[sflag:s12] =	ssyncadd.s32 $0xFFFFE0C0  }
0xbe: {  	_ =	swait.ge [sflag:s13], $0x1F40  }
0xbf: {  	[sflag:s13] =	ssyncset.done $0x0  }
0xc0: {  	[sflag:s13] =	ssyncadd.s32 $0xFFFFE0C0  }
0xc1: {  	_ =	swait.ge [sflag:s14], $0x1F40  }
0xc2: {  	[sflag:s14] =	ssyncset.done $0x0  }
0xc3: {  	[sflag:s14] =	ssyncadd.s32 $0xFFFFE0C0  }
0xc4: {  	_ =	swait.ge [sflag:s15], $0x1F40  }
0xc5: {  	[sflag:s15] =	ssyncset.done $0x0  }
0xc6: {  	[sflag:s15] =	ssyncadd.s32 $0xFFFFE0C0  }
0xc7: {  	[bflag:$0x0] =	sbarrier.arrive $0xFFFF  }
0xc8: {  	s18 =	rddreg [dreg:$0x6]  }
0xc9: {  	[tilespmem:s24], [sflag:$0xD] =	stream.linear.gather [spmem:s18], $0x2000, $0x38;
	[tilespmem:$0x1AC40] =	vst v63  }
0xca: {  	_ =	swait.ge [sflag:s25], $0x2000  }
0xcb: {  	[sflag:s25] =	ssyncset.done $0x0  }
0xcc: {  	s19 =	rddreg [dreg:$0xc];
	[sflag:s25] =	ssyncadd.s32 $0xFFFFE000  }
0xcd: {  	[hbm4b:s19+s3] =	stream.linear.scatter [tilespmem:s24], [sflag:$0xD], $0x2000, $0x38;
	[tilespmem:$0x1AC40] =	vst v63  }
0xce: {  	_ =	swait.ge [sflag:s25], $0x2000  }
0xcf: {  	[sflag:s25] =	ssyncset.done $0x0  }
0xd0: {  	s20 =	rddreg [dreg:$0xd];
	[sflag:s25] =	ssyncadd.s32 $0xFFFFE000  }
0xd1: {  	[tilespmem:s24], [sflag:$0xD] =	stream.linear.gather [spmem:s20], $0x2000, $0x38;
	[tilespmem:$0x1AC40] =	vst v63  }
0xd2: {  	_ =	swait.ge [sflag:s25], $0x2000  }
0xd3: {  	[sflag:s25] =	ssyncset.done $0x0  }
0xd4: {  	s18 =	rddreg [dreg:$0xe];
	[sflag:s25] =	ssyncadd.s32 $0xFFFFE000  }
0xd5: {  	[hbm4b:s18+s3] =	stream.linear.scatter [tilespmem:s24], [sflag:$0xD], $0x2000, $0x38;
	[tilespmem:$0x1AC40] =	vst v63  }
0xd6: {  	_ =	swait.ge [sflag:s25], $0x2000  }
0xd7: {  	[sflag:s25] =	ssyncset.done $0x0  }
0xd8: {  	s19 =	rddreg [dreg:$0xf];
	[sflag:s25] =	ssyncadd.s32 $0xFFFFE000  }
0xd9: {  	[tilespmem:s24], [sflag:$0xD] =	stream.linear.gather [spmem:s19], $0x2000, $0x38;
	[tilespmem:$0x1AC40] =	vst v63  }
0xda: {  	_ =	swait.ge [sflag:s25], $0x2000  }
0xdb: {  	[sflag:s25] =	ssyncset.done $0x0  }
0xdc: {  	s20 =	rddreg [dreg:$0x10];
	[sflag:s25] =	ssyncadd.s32 $0xFFFFE000  }
0xdd: {  	[hbm4b:s20+s3] =	stream.linear.scatter [tilespmem:s24], [sflag:$0xD], $0x2000, $0x38;
	[tilespmem:$0x1AC40] =	vst v63  }
0xde: {  	_ =	swait.ge [sflag:s25], $0x2000  }
0xdf: {  	[sflag:s25] =	ssyncset.done $0x0  }
0xe0: {  	s18 =	rddreg [dreg:$0x11];
	[sflag:s25] =	ssyncadd.s32 $0xFFFFE000  }
0xe1: {  	[tilespmem:s24], [sflag:$0xD] =	stream.linear.gather [spmem:s18], $0x2000, $0x38;
	[tilespmem:$0x1AC40] =	vst v63  }
0xe2: {  	_ =	swait.ge [sflag:s25], $0x2000  }
0xe3: {  	[sflag:s25] =	ssyncset.done $0x0  }
0xe4: {  	s19 =	rddreg [dreg:$0x12];
	[sflag:s25] =	ssyncadd.s32 $0xFFFFE000  }
0xe5: {  	[hbm4b:s19+s3] =	stream.linear.scatter [tilespmem:s24], [sflag:$0xD], $0x2000, $0x38;
	[tilespmem:$0x1AC40] =	vst v63  }
0xe6: {  	_ =	swait.ge [sflag:s25], $0x2000  }
0xe7: {  	[sflag:s25] =	ssyncset.done $0x0  }
0xe8: {  	[sflag:s25] =	ssyncadd.s32 $0xFFFFE000  }
0xe9: {  	[tilespmem:s24], [sflag:$0xD] =	stream.linear.gather [spmem:s21], $0x2000, $0x38;
	[tilespmem:$0x1AC40] =	vst v63  }
0xea: {  	_ =	swait.ge [sflag:s25], $0x2000  }
0xeb: {  	[sflag:s25] =	ssyncset.done $0x0  }
0xec: {  	[sflag:s25] =	ssyncadd.s32 $0xFFFFE000  }
0xed: {  	[hbm4b:s22+s3] =	stream.linear.scatter [tilespmem:s24], [sflag:$0xD], $0x2000, $0x38;
	[tilespmem:$0x1AC40] =	vst v63  }
0xee: {  	_ =	swait.ge [sflag:s25], $0x2000  }
0xef: {  	s16 =	sadd.s32 $0x1, s16;
	s20 =	rddreg [dreg:$0x7]  }
0xf0: {  	p0 =	sne.s32 s16, s20  }
.Ltmp2:
0xf1: {  	_ = 	snop;
	(pc) =	sbr.rel @p0 .LBB2_1-.Ltmp2, $3  }
0xf2: {  	_ =	sdelay $0x1  }
0xf3: {  	[sflag:s25] =	ssyncset.done $0x0  }
0xf4: {  	[sflag:s25] =	ssyncadd.s32 $0xFFFFE000  }
0xf5: {  	_ =	sfence.sel $0x180000  }
0xf6: {  	[bflag:$0x0] =	sbarrier.arrive $0xFFFF  }
0xf7: {  	_ =	strace $0x9000004A  }
0xf8: {  	s0 =	stileid.u32;
	[bflag:$0x2] =	sbarrier.arrive $0xFFFF  }
0xf9: {  	p0 =	sne.s32 s0, $0x0;
	s0 =	rddreg [dreg:$0x3]  }
0xfa: {  	s0 =	sadd.s32 @!p0 $0x100000, s0  }
0xfb: {  	[sflag:s0] =	ssyncadd.tile.s32 @!p0 $0x1;
	_ =	shalt  }
.Lfunc_end2:
_tile_overlayer_lowered:
.L_overlay_start_2:
0xfc: {  	(tag) =	ssettag $0x2  }
0xfd: {  	s0 =	rddreg [dreg:$0x0];
	s2 =	stileid.u32  }
0xfe: {  	s1 =	rddreg [dreg:$0x1];
	p0 =	sne.s32 s2, $0x0  }
0xff: {  	s3 =	rddreg [dreg:$0x2];
	[bflag:$0x3] =	sbarrier.arrive $0xFFFF;
	s2 =	simm.s32 @!p0 $0x1C0D  }
0x100: {  	[timem:s3], [sflag:s2] =	dma.local @!p0 [hbm:s0], s1  }
0x101: {  	s0 =	simm.s32 @!p0 $0xD  }
0x102: {  	_ =	swait.ge @!p0 [sflag:s0], s1  }
0x103: {  	s1 =	ssub.s32 @!p0 $0x0, s1;
	[sflag:s0] =	ssyncset.done @!p0 $0x0  }
0x104: {  	[sflag:s0] =	ssyncadd.s32 @!p0 s1  }
0x105: {  	[bflag:$0x3] =	sbarrier.arrive $0xFFFF  }
0x106: {  	_ =	shalt  }

// kernel: kernel.14.cloned.1.call-start
scs
__scs_entry_jumppad:
0x0: {  	(pc) =	sbr.rel $0x88, $3  }
0x1: {  	(tag) =	ssettag $0x0;
	lr =	simm.s32 $0x1  }
0x2: {  	[smem:$0x3F95] =	sst lr;
	_ =	strace $0xD0000000  }
0x3: {  	_ = 	snop  }
0x4: {  	_ = 	snop  }
0x5: {  	_ = 	snop  }
0x6: {  	_ = 	snop  }
0x7: {  	_ = 	snop  }
__scs_overlays_trampoline_lowered:
0x8: {  	[smem:$0x3FA4] =	sst s0  }
0x9: {  	[smem:$0x3FA5] =	sst s1  }
0xa: {  	[smem:$0x3FA6] =	sst s2  }
0xb: {  	[smem:$0x3FA7] =	sst s3  }
0xc: {  	[smem:$0x3FA8] =	sst s4  }
0xd: {  	[smem:$0x3FA9] =	sst s5  }
0xe: {  	[smem:$0x3FAA] =	sst s6  }
0xf: {  	[smem:$0x3FAB] =	sst s7  }
0x10: {  	[smem:$0x3FAC] =	sst s8  }
0x11: {  	[smem:$0x3FAD] =	sst s9;
	s0 =	simm.s32 @!p0 $0x0  }
0x12: {  	s1 =	sld [smem:$0x3F93];
	s0 =	simm.s32 @p0 $0x1  }
0x13: {  	[smem:$0x3FAE] =	sst s0;
	s0 =	simm.s32 @!p1 $0x0  }
0x14: {  	s2 =	sld [smem:$0x3F92];
	s0 =	simm.s32 @p1 $0x1  }
0x15: {  	[smem:$0x3FAF] =	sst s0;
	s0 =	simm.s32 @!p2 $0x0  }
0x16: {  	s3 =	sld [smem:$0x3FDB];
	s0 =	simm.s32 @p2 $0x1  }
0x17: {  	s4 =	simm.s32 $0x1BF5;
	[smem:$0x3FB1] =	sst s0  }
0x18: {  	s0 =	sld [smem:$0x3F94];
	_ =	swait.ge [sflag:s4], $0x0  }
0x19: {  	s7 =	sld [smem:$0x3F95]  }
0x1a: {  	s8 =	sadd.s32 $0xFFFFE003, lr  }
0x1b: {  	s9 =	sadd.s32 $0xFFFFFEF7, lr;
	s5 =	simm.s32 $0xFFFFFFFF;
	p2 =	slt.u32 s8, $0xFFFFF086  }
0x1c: {  	p1 =	slt.u32 s9, $0xF7A;
	s5 =	simm.s32 @!p2 $0x0  }
0x1d: {  	s5 =	simm.s32 @p1 $0x1;
	p0 =	seq.s32 s7, s2  }
0x1e: {  	s7 =	smul.u32 @!p0 $0xF7A, s2;
	p2 =	seq.s32 @!p0 s5, $0x0  }
0x1f: {  	s9 =	smul.u32 $0xF7A, s1;
	s8 =	simm.s32 @!p0 $0x1BF5;
	p2 =	por !p2, p0  }
0x20: {  	[sflag:s8] =	ssyncset.s32 @!p0 $0xFFFFF086;
	s6 =	sadd.s32 @!p0 s3, s7;
	s7 =	simm.s32 @!p0 $0x108  }
0x21: {  	s3 =	sadd.s32 s3, s9;
	s6 =	sadd.s32 @!p0 $0x88, s6;
	s7 =	simm.s32 @p2 $0x1082  }
0x22: {  	[simem:s7], [sflag:s8] =	dma.local @!p0 [hbm:s6], $0xF7A  }
0x23: {  	s9 =	sor.u32 $0xD0000000, s2;
	s6 =	simm.s32 $0x108;
	_ =	swait.ge @!p0 [sflag:s8], $0x0  }
0x24: {  	s3 =	sadd.s32 $0x88, s3;
	s6 =	simm.s32 @!p1 $0x1082;
	[sflag:s4] =	ssyncset.s32 $0xFFFFF086  }
0x25: {  	[simem:s6], [sflag:s4] =	dma.local [hbm:s3], $0xF7A  }
0x26: {  	[smem:$0x3F95] =	sst s1;
	(tag) =	ssettag s2;
	_ =	strace s9  }
0x27: {  	s1 =	sld [smem:$0x3FA5]  }
0x28: {  	s2 =	sld [smem:$0x3FA6]  }
0x29: {  	s4 =	sld [smem:$0x3FA8]  }
0x2a: {  	p0 =	seq.s32 s5, $0x0;
	s5 =	sld [smem:$0x3FA9]  }
0x2b: {  	s6 =	sld [smem:$0x3FAA]  }
0x2c: {  	s7 =	sld [smem:$0x3FAB]  }
0x2d: {  	s3 =	simm.s32 $0x108;
	s8 =	sld [smem:$0x3FAC]  }
0x2e: {  	s3 =	simm.s32 @!p0 $0x1082;
	s9 =	sld [smem:$0x3FAD]  }
0x2f: {  	lr =	sadd.s32 s0, s3;
	s0 =	sld [smem:$0x3FA4]  }
0x30: {  	s3 =	sld [smem:$0x3FA7]  }
0x31: {  	[smem:$0x3FB0] =	sst s10  }
0x32: {  	s10 =	sld [smem:$0x3FAE];
	_ =	sdelay $0x3  }
0x33: {  	p0 =	seq.s32 s10, $0x1;
	s10 =	sld [smem:$0x3FB0];
	_ =	sdelay $0x3  }
0x34: {  	[smem:$0x3FB0] =	sst s10  }
0x35: {  	s10 =	sld [smem:$0x3FAF];
	_ =	sdelay $0x3  }
0x36: {  	p1 =	seq.s32 s10, $0x1;
	s10 =	sld [smem:$0x3FB0];
	_ =	sdelay $0x3  }
0x37: {  	[smem:$0x3FB0] =	sst s10  }
0x38: {  	s10 =	sld [smem:$0x3FB1]  }
0x39: {  	_ = 	snop;
	(pc) =	sbr.ind lr, $3  }
0x3a: {  	_ = 	snop  }
0x3b: {  	_ = 	snop  }
0x3c: {  	p2 =	seq.s32 s10, $0x1;
	s10 =	sld [smem:$0x3FB0]  }
0x3d: {  	_ =	shalt  }
0x3e: {  	_ =	shalt  }
0x3f: {  	_ =	shalt  }
0x40: {  	_ =	shalt  }
0x41: {  	_ =	shalt  }
0x42: {  	_ =	shalt  }
0x43: {  	_ =	shalt  }
0x44: {  	_ =	shalt  }
0x45: {  	_ =	shalt  }
0x46: {  	_ =	shalt  }
0x47: {  	_ =	shalt  }
0x48: {  	_ =	shalt  }
0x49: {  	_ =	shalt  }
0x4a: {  	_ =	shalt  }
0x4b: {  	_ =	shalt  }
0x4c: {  	_ =	shalt  }
0x4d: {  	_ =	shalt  }
0x4e: {  	_ =	shalt  }
0x4f: {  	_ =	shalt  }
0x50: {  	_ =	shalt  }
0x51: {  	_ =	shalt  }
0x52: {  	_ =	shalt  }
0x53: {  	_ =	shalt  }
0x54: {  	_ =	shalt  }
0x55: {  	_ =	shalt  }
0x56: {  	_ =	shalt  }
0x57: {  	_ =	shalt  }
0x58: {  	_ =	shalt  }
0x59: {  	_ =	shalt  }
0x5a: {  	_ =	shalt  }
0x5b: {  	_ =	shalt  }
0x5c: {  	_ =	shalt  }
0x5d: {  	_ =	shalt  }
0x5e: {  	_ =	shalt  }
0x5f: {  	_ =	shalt  }
0x60: {  	_ =	shalt  }
0x61: {  	_ =	shalt  }
0x62: {  	_ =	shalt  }
0x63: {  	_ =	shalt  }
0x64: {  	_ =	shalt  }
0x65: {  	_ =	shalt  }
0x66: {  	_ =	shalt  }
0x67: {  	_ =	shalt  }
0x68: {  	_ =	shalt  }
0x69: {  	_ =	shalt  }
0x6a: {  	_ =	shalt  }
0x6b: {  	_ =	shalt  }
0x6c: {  	_ =	shalt  }
0x6d: {  	_ =	shalt  }
0x6e: {  	_ =	shalt  }
0x6f: {  	_ =	shalt  }
0x70: {  	_ =	shalt  }
0x71: {  	_ =	shalt  }
0x72: {  	_ =	shalt  }
0x73: {  	_ =	shalt  }
0x74: {  	_ =	shalt  }
0x75: {  	_ =	shalt  }
0x76: {  	_ =	shalt  }
0x77: {  	_ =	shalt  }
0x78: {  	_ =	shalt  }
0x79: {  	_ =	shalt  }
0x7a: {  	_ =	shalt  }
0x7b: {  	_ =	shalt  }
0x7c: {  	_ =	shalt  }
0x7d: {  	_ =	shalt  }
0x7e: {  	_ =	shalt  }
0x7f: {  	_ =	shalt  }
0x80: {  	_ =	shalt  }
0x81: {  	_ =	shalt  }
0x82: {  	_ =	shalt  }
0x83: {  	_ =	shalt  }
0x84: {  	_ =	shalt  }
0x85: {  	_ =	shalt  }
0x86: {  	_ =	shalt  }
0x87: {  	_ =	shalt  }
.Lfunc_end0:
.L_simem_size_0:
called_computation.2_lowered:
.L_overlay_start_0:
0x88: {  	s2 =	sld [smem:$0x3FD9]  }
0x89: {  	s3 =	sld [smem:$0x3FFE];
	_ =	sdelay $0x1  }
0x8a: {  	s1 =	srdreg.scid  }
0x8b: {  	s0 =	sand.u32 $0x1, s1  }
0x8c: {  	s17 =	sshll.u32 s0, $0xA;
	s2 =	sadd.s32 s3, s2  }
0x8d: {  	s2 =	sadd.s32 s2, s17  }
0x8e: {  	[smem:$0x3FBC] =	sst s2  }
0x8f: {  	_ = 	snop  }
0x90: {  	s2 =	sld [smem:$0x3FD0];
	(tm) =	ssettm $0x1  }
0x91: {  	s18 =	sld [smem:$0x3FFB];
	_ =	sdelay $0x3  }
0x92: {  	_ =	strace s18  }
0x93: {  	s3 =	sld [smem:$0x3FFC];
	_ =	sdelay $0x3  }
0x94: {  	_ =	strace s3  }
0x95: {  	s3 =	sld [smem:$0x3FFD];
	_ =	sdelay $0x3  }
0x96: {  	_ =	strace s3  }
0x97: {  	_ =	strace $0x8FFFFFFF  }
0x98: {  	s19 =	sld [smem:$0x3FDB];
	_ =	sdelay $0x1  }
0x99: {  	s4 =	simm.s32 $_scs_section_size  }
0x9a: {  	s5 =	simm.s32 $_size__tile_overlayer_lowered;
	s6 =	simm.s32 $_tile_overlayer_lowered  }
0x9b: {  	s22 =	simm.s32 $0x1BFF;
	s21 =	sshll.u32 s6, $0x1;
	s3 =	sadd.s32 s4, s19  }
0x9c: {  	s7 =	simm.s32 $0x0;
	s20 =	sshll.u32 s5, $0x1;
	s5 =	sadd.s32 s21, s3  }
0x9d: {  	[timem:s7], [sflag:s22] =	dma.local [hbm:s5], s20  }
0x9e: {  	_ =	swait.ge [sflag:s22], s20  }
0x9f: {  	s4 =	ssub.s32 $0x0, s20;
	[sflag:s22] =	ssyncset.done $0x0  }
0xa0: {  	[sflag:s22] =	ssyncadd.s32 s4;
	_ =	sdelay $0x1  }
0xa1: {  	s23 =	simm.s32 $0x1B8B  }
0xa2: {  	_ =	swait.ge [sflag:s23], $0x1  }
0xa3: {  	[sflag:s23] =	ssyncset.done $0x0  }
0xa4: {  	s25 =	simm.s32 $0x1B8E;
	s24 =	sld [smem:$0x3FFE];
	[sflag:s23] =	ssyncadd.s32 $0xFFFFFFFF  }
0xa5: {  	s26 =	simm.s32 $execute0_lowered;
	[smem:$0x3FD2] =	sst s25  }
0xa6: {  	s5 =	sshll.u32 s26, $0x1;
	_ =	strace $0x8000004C;
	[dreg:$0x1] =	wrdreg $0xFFFFFFFF  }
0xa7: {  	s28 =	simm.s32 $_size_execute0_lowered;
	s3 =	sadd.s32 s3, s5;
	[dreg:$0x0] =	wrdreg $0x0  }
0xa8: {  	s5 =	sshll.u32 s28, $0x1;
	[dreg:$0x2] =	wrdreg s3  }
0xa9: {  	[dreg:$0x3] =	wrdreg s5  }
0xaa: {  	[dreg:$0x4] =	wrdreg $0xC0  }
0xab: {  	_ =	task [dreg:s7], $0x5FFFF  }
0xac: {  	[dreg:$0x1] =	wrdreg $0xFFFFFFFF  }
0xad: {  	[dreg:$0x0] =	wrdreg $0x60  }
0xae: {  	[dreg:$0x2] =	wrdreg s24  }
0xaf: {  	[dreg:$0x3] =	wrdreg s2  }
0xb0: {  	[dreg:$0x4] =	wrdreg $0x9  }
0xb1: {  	_ =	task.clear_ibuf [dreg:s7], $0x5FFFF;
	_ =	strace $0x9000004C  }
0xb2: {  	s29 =	simm.s32 $0x9;
	_ =	strace $0x8000004E  }
0xb3: {  	_ =	swait.ge [sflag:s29], $0x1  }
0xb4: {  	[sflag:s29] =	ssyncadd.s32 $0xFFFFFFFF  }
0xb5: {  	_ =	strace $0x9000004E  }
0xb6: {  	_ =	sfence  }
0xb7: {  	s30 =	sld [smem:$0x0];
	_ =	sdelay $0x2  }
0xb8: {  	s31 =	sshll.u32 s1, $0xD;
	s1 =	sshrl.u32 s1, $0x2  }
0xb9: {  	s3 =	sand.u32 $0x4000, s31;
	s1 =	sadd.s32 s1, s30  }
0xba: {  	s0 =	sor.u32 s3, s0;
	s1 =	sshll.u32 s1, $0x11  }
0xbb: {  	s0 =	sor.u32 s1, s0  }
0xbc: {  	s0 =	sadd.s32 $0x8F2B, s0  }
0xbd: {  	[sflag:s0] =	ssyncadd.remote.s32 $0x1  }
0xbe: {  	_ =	sfence.sel $0xFFFF  }
0xbf: {  	[dreg:$0x0] =	wrdreg $0xFFFFFFFF;
	(pc) =	sbr.abs _section_cstart, $3  }
0xc0: {  	[dreg:$0x1] =	wrdreg $0xFFFFFFFF  }
0xc1: {  	_ =	task.clear_ibuf [dreg:s7], $0x2FFFF;
	_ =	strace $0x9FFFFFFF  }
0xc2: {  	(tm) =	ssettm $0x7FFFFFFF  }
0xc3: {  	_ =	shalt  }
tec
execute0_lowered:
.L_overlay_start_1:
0x0: {  	(tag) =	ssettag $0x1  }
0x1: {  	s4 =	rddreg [dreg:$0x0]  }
0x2: {  	s0 =	srdreg.scid;
	s7 =	rddreg [dreg:$0x1]  }
0x3: {  	s1 =	stileid.u32;
	s2 =	simm.s32 $0x0;
	s11 =	simm.s32 $0x9C40  }
0x4: {  	s12 =	simm.s32 $0xC350;
	s13 =	simm.s32 $0x1;
	s14 =	simm.s32 $0x2  }
0x5: {  	s15 =	simm.s32 $0x3;
	s16 =	simm.s32 $0x4;
	s3 =	sand.u32 $0x1, s0  }
0x6: {  	s17 =	simm.s32 $0x4E20;
	s18 =	simm.s32 $0x7530;
	s5 =	sshll.u32 s3, $0x4  }
0x7: {  	s19 =	simm.s32 $0x5;
	s20 =	simm.s32 $0x0;
	s5 =	sor.u32 s1, s5  }
0x8: {  	s0 =	rddreg [dreg:$0x2];
	s8 =	ssub.s32 $0x2, s3;
	s6 =	smul.u32 $0x2710, s5  }
0x9: {  	[smem:$0x7FF] =	sst s2;
	s10 =	sshrl.u32 s8, $0x1;
	s9 =	smul.u32 $0x4E20, s5  }
0xa: {  	_ =	strace $0x8000004D;
	s3 =	sadd.s32 $0x16800, s4;
	s10 =	ssub.s32 s8, s10  }
0xb: {  	s31 =	smul.u32 $0x9C4, s5;
	s6 =	sshrl.u32 s6, $0x3;
	s9 =	sshrl.u32 s9, $0x3  }
0xc: {  	s6 =	sadd.s32 s6, s4;
	s4 =	sadd.s32 $0x16CE2, s4;
	s9 =	sadd.s32 s7, s9  }
0xd: {  	s7 =	sadd.s32 s7, s31;
	s5 =	sadd.s32 $0x2E00, s6;
	s6 =	sadd.s32 $0xCA40, s6  }
0xe: {  	v0 =	vimm.f32 $0.0e+00;
	s8 =	sadd.s32 $0x4E2, s9;
	s9 =	smax.u32 s10, $0x1;
	s10 =	simm.s32 $0x2710  }
.LBB2_1:
0xf: {  	[tilespmem:s2], [sflag:$0x1] =	stream.linear.gather [hbm4b:s3+s2], $0x2710, $0x38;
	[tilespmem:$0xEA60] =	vst v63  }
0x10: {  	_ = 	snop  }
0x11: {  	[tilespmem:s10], [sflag:$0x2] =	stream.linear.gather [hbm4b:s4+s2], $0x2710, $0x38;
	[tilespmem:$0xEA60] =	vst v63  }
0x12: {  	_ = 	snop  }
0x13: {  	[tilespmem:s11], [sflag:$0x3] =	stream.linear.gather [hbm4b:s5+s2], $0x2710, $0x38;
	[tilespmem:$0xEA60] =	vst v63  }
0x14: {  	s21 =	simm.s32 $0x40;
	s22 =	simm.s32 $0x0  }
0x15: {  	[tilespmem:s12], [sflag:$0x4] =	stream.linear.gather [hbm4b:s6+s2], $0x2710, $0x38;
	[tilespmem:$0xEA60] =	vst v63  }
.LBB2_2:
0x16: {  	p0 =	sne.s32 s21, $0x9C00;
	[tilespmem:s22+$0x4E20] =	vst v0;
	s23 =	smov.u32 s21;
	s21 =	sadd.s32 $0x40, s21  }
.Ltmp0:
0x17: {  	[tilespmem:s22+$0x7530] =	vst v0;
	(pc) =	sbr.rel @p0 .LBB2_2-.Ltmp0, $2  }
0x18: {  	_ =	sdelay $0x2  }
0x19: {  	s22 =	sshra.s32 s23, $0x2  }
0x1a: {  	[tilespmem:s22+$0x4E20] =	vst v0  }
0x1b: {  	[tilespmem:s22+$0x7530] =	vst v0  }
0x1c: {  	_ =	swait.ge [sflag:s13], $0x2710  }
0x1d: {  	[sflag:s13] =	ssyncset.done $0x0  }
0x1e: {  	[sflag:s13] =	ssyncadd.s32 $0xFFFFD8F0  }
0x1f: {  	_ =	swait.ge [sflag:s14], $0x2710  }
0x20: {  	[sflag:s14] =	ssyncset.done $0x0  }
0x21: {  	[sflag:s14] =	ssyncadd.s32 $0xFFFFD8F0  }
0x22: {  	_ =	swait.ge [sflag:s15], $0x2710  }
0x23: {  	[sflag:s15] =	ssyncset.done $0x0  }
0x24: {  	[sflag:s15] =	ssyncadd.s32 $0xFFFFD8F0  }
0x25: {  	_ =	swait.ge [sflag:s16], $0x2710  }
0x26: {  	[sflag:s16] =	ssyncset.done $0x0  }
0x27: {  	s22 =	simm.s32 $0x0;
	[sflag:s16] =	ssyncadd.s32 $0xFFFFD8F0  }
0x28: {  	s21 =	simm.s32 $0x40;
	v1 =	vld [tilespmem:s22+$0x9C40]  }
.LBB2_4:
0x29: {  	p0 =	sne.s32 s21, $0x9C00;
	_ =	sdelay $0x4  }
0x2a: {  	v2 =	vld [tilespmem:s22+$0xC350];
	_ =	sdelay $0x1  }
0x2b: {  	v3 =	vld.idx.msk [tilespmem:v1+s2+$0x0], $0xffff  }
0x2c: {  	v1 =	vld.idx.msk [tilespmem:v1+s10+$0x0], $0xffff;
	_ =	sdelay $0x2  }
.Ltmp1:
0x2d: {  	(pc) =	sbr.rel @p0 .LBB2_4-.Ltmp1, $4  }
0x2e: {  	_ = 	snop  }
0x2f: {  	[tilespmem:v2+s17+$0x0] =	vst.idx.add.f32.msk $0xffff, v3  }
0x30: {  	s22 =	sshra.s32 s21, $0x2;
	[tilespmem:v2+s18+$0x0] =	vst.idx.add.f32.msk $0xffff, v1  }
0x31: {  	s21 =	sadd.s32 $0x40, s21;
	v1 =	vld [tilespmem:s22+$0x9C40]  }
0x32: {  	_ =	sdelay $0x4  }
0x33: {  	v2 =	vld [tilespmem:s22+$0xC350];
	_ =	sdelay $0x2  }
0x34: {  	v3 =	vld.idx.msk [tilespmem:v1+s2+$0x0], $0xffff  }
0x35: {  	v1 =	vld.idx.msk [tilespmem:v1+s10+$0x0], $0xffff;
	_ =	sdelay $0x3  }
0x36: {  	[tilespmem:v2+s17+$0x0] =	vst.idx.add.f32.msk $0xffff, v3  }
0x37: {  	[tilespmem:v2+s18+$0x0] =	vst.idx.add.f32.msk $0xffff, v1  }
0x38: {  	[hbm4b:s7+s2] =	stream.linear.scatter [tilespmem:s17], [sflag:$0x5], $0x2710, $0x38;
	[tilespmem:$0xEA60] =	vst v63  }
0x39: {  	s20 =	sadd.s32 $0x1, s20;
	_ =	swait.ge [sflag:s19], $0x2710  }
0x3a: {  	p0 =	sne.s32 s20, s9;
	[sflag:s19] =	ssyncset.done $0x0  }
.Ltmp2:
0x3b: {  	[sflag:s19] =	ssyncadd.s32 $0xFFFFD8F0;
	(pc) =	sbr.rel @p0 .LBB2_1-.Ltmp2, $4  }
0x3c: {  	[hbm4b:s8+s2] =	stream.linear.scatter [tilespmem:s18], [sflag:$0x5], $0x2710, $0x38;
	[tilespmem:$0xEA60] =	vst v63  }
0x3d: {  	_ =	swait.ge [sflag:s19], $0x2710  }
0x3e: {  	[sflag:s19] =	ssyncset.done $0x0  }
0x3f: {  	[sflag:s19] =	ssyncadd.s32 $0xFFFFD8F0  }
0x40: {  	_ =	sfence.sel $0x180000  }
0x41: {  	[bflag:$0x0] =	sbarrier.arrive $0xFFFF  }
0x42: {  	p0 =	sne.s32 s1, $0x0;
	_ =	strace $0x9000004D  }
0x43: {  	s0 =	sadd.s32 @!p0 $0x100000, s0;
	[bflag:$0x2] =	sbarrier.arrive $0xFFFF  }
0x44: {  	[sflag:s0] =	ssyncadd.tile.s32 @!p0 $0x1;
	_ =	shalt  }
.Lfunc_end2:
_tile_overlayer_lowered:
.L_overlay_start_2:
0x45: {  	(tag) =	ssettag $0x2  }
0x46: {  	s0 =	rddreg [dreg:$0x0];
	s2 =	stileid.u32  }
0x47: {  	s1 =	rddreg [dreg:$0x1];
	p0 =	sne.s32 s2, $0x0  }
0x48: {  	s3 =	rddreg [dreg:$0x2];
	[bflag:$0x3] =	sbarrier.arrive $0xFFFF;
	s2 =	simm.s32 @!p0 $0x1C05  }
0x49: {  	[timem:s3], [sflag:s2] =	dma.local @!p0 [hbm:s0], s1  }
0x4a: {  	s0 =	simm.s32 @!p0 $0x5  }
0x4b: {  	_ =	swait.ge @!p0 [sflag:s0], s1  }
0x4c: {  	s1 =	ssub.s32 @!p0 $0x0, s1;
	[sflag:s0] =	ssyncset.done @!p0 $0x0  }
0x4d: {  	[sflag:s0] =	ssyncadd.s32 @!p0 s1  }
0x4e: {  	[bflag:$0x3] =	sbarrier.arrive $0xFFFF  }
0x4f: {  	_ =	shalt  }

// kernel: kernel.8.cloned.1.call-start
scs
__scs_entry_jumppad:
0x0: {  	(pc) =	sbr.rel $0x88, $3  }
0x1: {  	(tag) =	ssettag $0x0;
	lr =	simm.s32 $0x1  }
0x2: {  	[smem:$0x3F95] =	sst lr;
	_ =	strace $0xD0000000  }
0x3: {  	_ = 	snop  }
0x4: {  	_ = 	snop  }
0x5: {  	_ = 	snop  }
0x6: {  	_ = 	snop  }
0x7: {  	_ = 	snop  }
__scs_overlays_trampoline_lowered:
0x8: {  	[smem:$0x3FA4] =	sst s0  }
0x9: {  	[smem:$0x3FA5] =	sst s1  }
0xa: {  	[smem:$0x3FA6] =	sst s2  }
0xb: {  	[smem:$0x3FA7] =	sst s3  }
0xc: {  	[smem:$0x3FA8] =	sst s4  }
0xd: {  	[smem:$0x3FA9] =	sst s5  }
0xe: {  	[smem:$0x3FAA] =	sst s6  }
0xf: {  	[smem:$0x3FAB] =	sst s7  }
0x10: {  	[smem:$0x3FAC] =	sst s8  }
0x11: {  	[smem:$0x3FAD] =	sst s9;
	s0 =	simm.s32 @!p0 $0x0  }
0x12: {  	s1 =	sld [smem:$0x3F93];
	s0 =	simm.s32 @p0 $0x1  }
0x13: {  	[smem:$0x3FAE] =	sst s0;
	s0 =	simm.s32 @!p1 $0x0  }
0x14: {  	s2 =	sld [smem:$0x3F92];
	s0 =	simm.s32 @p1 $0x1  }
0x15: {  	[smem:$0x3FAF] =	sst s0;
	s0 =	simm.s32 @!p2 $0x0  }
0x16: {  	s3 =	sld [smem:$0x3FDB];
	s0 =	simm.s32 @p2 $0x1  }
0x17: {  	s4 =	simm.s32 $0x1BF5;
	[smem:$0x3FB1] =	sst s0  }
0x18: {  	s0 =	sld [smem:$0x3F94];
	_ =	swait.ge [sflag:s4], $0x0  }
0x19: {  	s7 =	sld [smem:$0x3F95]  }
0x1a: {  	s8 =	sadd.s32 $0xFFFFE003, lr  }
0x1b: {  	s9 =	sadd.s32 $0xFFFFFEF7, lr;
	s5 =	simm.s32 $0xFFFFFFFF;
	p2 =	slt.u32 s8, $0xFFFFF086  }
0x1c: {  	p1 =	slt.u32 s9, $0xF7A;
	s5 =	simm.s32 @!p2 $0x0  }
0x1d: {  	s5 =	simm.s32 @p1 $0x1;
	p0 =	seq.s32 s7, s2  }
0x1e: {  	s7 =	smul.u32 @!p0 $0xF7A, s2;
	p2 =	seq.s32 @!p0 s5, $0x0  }
0x1f: {  	s9 =	smul.u32 $0xF7A, s1;
	s8 =	simm.s32 @!p0 $0x1BF5;
	p2 =	por !p2, p0  }
0x20: {  	[sflag:s8] =	ssyncset.s32 @!p0 $0xFFFFF086;
	s6 =	sadd.s32 @!p0 s3, s7;
	s7 =	simm.s32 @!p0 $0x108  }
0x21: {  	s3 =	sadd.s32 s3, s9;
	s6 =	sadd.s32 @!p0 $0x88, s6;
	s7 =	simm.s32 @p2 $0x1082  }
0x22: {  	[simem:s7], [sflag:s8] =	dma.local @!p0 [hbm:s6], $0xF7A  }
0x23: {  	s9 =	sor.u32 $0xD0000000, s2;
	s6 =	simm.s32 $0x108;
	_ =	swait.ge @!p0 [sflag:s8], $0x0  }
0x24: {  	s3 =	sadd.s32 $0x88, s3;
	s6 =	simm.s32 @!p1 $0x1082;
	[sflag:s4] =	ssyncset.s32 $0xFFFFF086  }
0x25: {  	[simem:s6], [sflag:s4] =	dma.local [hbm:s3], $0xF7A  }
0x26: {  	[smem:$0x3F95] =	sst s1;
	(tag) =	ssettag s2;
	_ =	strace s9  }
0x27: {  	s1 =	sld [smem:$0x3FA5]  }
0x28: {  	s2 =	sld [smem:$0x3FA6]  }
0x29: {  	s4 =	sld [smem:$0x3FA8]  }
0x2a: {  	p0 =	seq.s32 s5, $0x0;
	s5 =	sld [smem:$0x3FA9]  }
0x2b: {  	s6 =	sld [smem:$0x3FAA]  }
0x2c: {  	s7 =	sld [smem:$0x3FAB]  }
0x2d: {  	s3 =	simm.s32 $0x108;
	s8 =	sld [smem:$0x3FAC]  }
0x2e: {  	s3 =	simm.s32 @!p0 $0x1082;
	s9 =	sld [smem:$0x3FAD]  }
0x2f: {  	lr =	sadd.s32 s0, s3;
	s0 =	sld [smem:$0x3FA4]  }
0x30: {  	s3 =	sld [smem:$0x3FA7]  }
0x31: {  	[smem:$0x3FB0] =	sst s10  }
0x32: {  	s10 =	sld [smem:$0x3FAE];
	_ =	sdelay $0x3  }
0x33: {  	p0 =	seq.s32 s10, $0x1;
	s10 =	sld [smem:$0x3FB0];
	_ =	sdelay $0x3  }
0x34: {  	[smem:$0x3FB0] =	sst s10  }
0x35: {  	s10 =	sld [smem:$0x3FAF];
	_ =	sdelay $0x3  }
0x36: {  	p1 =	seq.s32 s10, $0x1;
	s10 =	sld [smem:$0x3FB0];
	_ =	sdelay $0x3  }
0x37: {  	[smem:$0x3FB0] =	sst s10  }
0x38: {  	s10 =	sld [smem:$0x3FB1]  }
0x39: {  	_ = 	snop;
	(pc) =	sbr.ind lr, $3  }
0x3a: {  	_ = 	snop  }
0x3b: {  	_ = 	snop  }
0x3c: {  	p2 =	seq.s32 s10, $0x1;
	s10 =	sld [smem:$0x3FB0]  }
0x3d: {  	_ =	shalt  }
0x3e: {  	_ =	shalt  }
0x3f: {  	_ =	shalt  }
0x40: {  	_ =	shalt  }
0x41: {  	_ =	shalt  }
0x42: {  	_ =	shalt  }
0x43: {  	_ =	shalt  }
0x44: {  	_ =	shalt  }
0x45: {  	_ =	shalt  }
0x46: {  	_ =	shalt  }
0x47: {  	_ =	shalt  }
0x48: {  	_ =	shalt  }
0x49: {  	_ =	shalt  }
0x4a: {  	_ =	shalt  }
0x4b: {  	_ =	shalt  }
0x4c: {  	_ =	shalt  }
0x4d: {  	_ =	shalt  }
0x4e: {  	_ =	shalt  }
0x4f: {  	_ =	shalt  }
0x50: {  	_ =	shalt  }
0x51: {  	_ =	shalt  }
0x52: {  	_ =	shalt  }
0x53: {  	_ =	shalt  }
0x54: {  	_ =	shalt  }
0x55: {  	_ =	shalt  }
0x56: {  	_ =	shalt  }
0x57: {  	_ =	shalt  }
0x58: {  	_ =	shalt  }
0x59: {  	_ =	shalt  }
0x5a: {  	_ =	shalt  }
0x5b: {  	_ =	shalt  }
0x5c: {  	_ =	shalt  }
0x5d: {  	_ =	shalt  }
0x5e: {  	_ =	shalt  }
0x5f: {  	_ =	shalt  }
0x60: {  	_ =	shalt  }
0x61: {  	_ =	shalt  }
0x62: {  	_ =	shalt  }
0x63: {  	_ =	shalt  }
0x64: {  	_ =	shalt  }
0x65: {  	_ =	shalt  }
0x66: {  	_ =	shalt  }
0x67: {  	_ =	shalt  }
0x68: {  	_ =	shalt  }
0x69: {  	_ =	shalt  }
0x6a: {  	_ =	shalt  }
0x6b: {  	_ =	shalt  }
0x6c: {  	_ =	shalt  }
0x6d: {  	_ =	shalt  }
0x6e: {  	_ =	shalt  }
0x6f: {  	_ =	shalt  }
0x70: {  	_ =	shalt  }
0x71: {  	_ =	shalt  }
0x72: {  	_ =	shalt  }
0x73: {  	_ =	shalt  }
0x74: {  	_ =	shalt  }
0x75: {  	_ =	shalt  }
0x76: {  	_ =	shalt  }
0x77: {  	_ =	shalt  }
0x78: {  	_ =	shalt  }
0x79: {  	_ =	shalt  }
0x7a: {  	_ =	shalt  }
0x7b: {  	_ =	shalt  }
0x7c: {  	_ =	shalt  }
0x7d: {  	_ =	shalt  }
0x7e: {  	_ =	shalt  }
0x7f: {  	_ =	shalt  }
0x80: {  	_ =	shalt  }
0x81: {  	_ =	shalt  }
0x82: {  	_ =	shalt  }
0x83: {  	_ =	shalt  }
0x84: {  	_ =	shalt  }
0x85: {  	_ =	shalt  }
0x86: {  	_ =	shalt  }
0x87: {  	_ =	shalt  }
.Lfunc_end0:
.L_simem_size_0:
called_computation_lowered:
.L_overlay_start_0:
0x88: {  	s2 =	sld [smem:$0x3FD9]  }
0x89: {  	s3 =	sld [smem:$0x3FFE];
	_ =	sdelay $0x1  }
0x8a: {  	s1 =	srdreg.scid  }
0x8b: {  	s0 =	sand.u32 $0x1, s1  }
0x8c: {  	s16 =	sshll.u32 s0, $0xA;
	s2 =	sadd.s32 s3, s2  }
0x8d: {  	s2 =	sadd.s32 s2, s16  }
0x8e: {  	[smem:$0x3FBC] =	sst s2  }
0x8f: {  	_ = 	snop  }
0x90: {  	(tm) =	ssettm $0x1  }
0x91: {  	s17 =	sld [smem:$0x3FFB];
	_ =	sdelay $0x3  }
0x92: {  	_ =	strace s17  }
0x93: {  	s2 =	sld [smem:$0x3FFC];
	_ =	sdelay $0x3  }
0x94: {  	_ =	strace s2  }
0x95: {  	s2 =	sld [smem:$0x3FFD];
	_ =	sdelay $0x3  }
0x96: {  	_ =	strace s2  }
0x97: {  	_ =	strace $0x8FFFFFFF  }
0x98: {  	s18 =	sld [smem:$0x3FDB];
	_ =	sdelay $0x1  }
0x99: {  	s19 =	simm.s32 $_scs_section_size  }
0x9a: {  	s4 =	simm.s32 $_size__tile_overlayer_lowered;
	s5 =	simm.s32 $_tile_overlayer_lowered  }
0x9b: {  	s22 =	simm.s32 $0x1BFF;
	s21 =	sshll.u32 s5, $0x1;
	s2 =	sadd.s32 s19, s18  }
0x9c: {  	s6 =	simm.s32 $0x0;
	s20 =	sshll.u32 s4, $0x1;
	s4 =	sadd.s32 s21, s2  }
0x9d: {  	[timem:s6], [sflag:s22] =	dma.local [hbm:s4], s20  }
0x9e: {  	_ =	swait.ge [sflag:s22], s20  }
0x9f: {  	s3 =	ssub.s32 $0x0, s20;
	[sflag:s22] =	ssyncset.done $0x0  }
0xa0: {  	[sflag:s22] =	ssyncadd.s32 s3;
	_ =	sdelay $0x1  }
0xa1: {  	s23 =	simm.s32 $0x1B8B  }
0xa2: {  	_ =	swait.ge [sflag:s23], $0x1  }
0xa3: {  	[sflag:s23] =	ssyncset.done $0x0  }
0xa4: {  	s25 =	simm.s32 $0x1B8E;
	s24 =	sld [smem:$0x3FFE];
	[sflag:s23] =	ssyncadd.s32 $0xFFFFFFFF  }
0xa5: {  	s26 =	simm.s32 $execute0_lowered;
	[smem:$0x3FD2] =	sst s25  }
0xa6: {  	s4 =	sshll.u32 s26, $0x1;
	_ =	strace $0x80000046;
	[dreg:$0x1] =	wrdreg $0xFFFFFFFF  }
0xa7: {  	s28 =	simm.s32 $_size_execute0_lowered;
	s2 =	sadd.s32 s2, s4;
	[dreg:$0x0] =	wrdreg $0x0  }
0xa8: {  	s4 =	sshll.u32 s28, $0x1;
	[dreg:$0x2] =	wrdreg s2  }
0xa9: {  	[dreg:$0x3] =	wrdreg s4  }
0xaa: {  	[dreg:$0x4] =	wrdreg $0xC0  }
0xab: {  	_ =	task [dreg:s6], $0x5FFFF  }
0xac: {  	[dreg:$0x1] =	wrdreg $0xFFFFFFFF  }
0xad: {  	[dreg:$0x0] =	wrdreg $0x60  }
0xae: {  	[dreg:$0x2] =	wrdreg s24  }
0xaf: {  	[dreg:$0x3] =	wrdreg $0x9  }
0xb0: {  	_ =	task.clear_ibuf [dreg:s6], $0x4FFFF;
	_ =	strace $0x90000046  }
0xb1: {  	s29 =	simm.s32 $0x9;
	_ =	strace $0x80000048  }
0xb2: {  	_ =	swait.ge [sflag:s29], $0x1  }
0xb3: {  	[sflag:s29] =	ssyncadd.s32 $0xFFFFFFFF  }
0xb4: {  	_ =	strace $0x90000048  }
0xb5: {  	_ =	sfence  }
0xb6: {  	s30 =	sld [smem:$0x0];
	_ =	sdelay $0x2  }
0xb7: {  	s31 =	sshll.u32 s1, $0xD;
	s1 =	sshrl.u32 s1, $0x2  }
0xb8: {  	s3 =	sand.u32 $0x4000, s31;
	s1 =	sadd.s32 s1, s30  }
0xb9: {  	s0 =	sor.u32 s3, s0;
	s1 =	sshll.u32 s1, $0x11  }
0xba: {  	s0 =	sor.u32 s1, s0  }
0xbb: {  	s0 =	sadd.s32 $0x8F2B, s0  }
0xbc: {  	[sflag:s0] =	ssyncadd.remote.s32 $0x1  }
0xbd: {  	_ =	sfence.sel $0xFFFF  }
0xbe: {  	[dreg:$0x0] =	wrdreg $0xFFFFFFFF;
	(pc) =	sbr.abs _section_cstart, $3  }
0xbf: {  	[dreg:$0x1] =	wrdreg $0xFFFFFFFF  }
0xc0: {  	_ =	task.clear_ibuf [dreg:s6], $0x2FFFF;
	_ =	strace $0x9FFFFFFF  }
0xc1: {  	(tm) =	ssettm $0x7FFFFFFF  }
tec
execute0_lowered:
.L_overlay_start_1:
0x0: {  	(tag) =	ssettag $0x1  }
0x1: {  	s0 =	srdreg.scid  }
0x2: {  	s3 =	sand.u32 $0x1, s0  }
0x3: {  	s4 =	rddreg [dreg:$0x0];
	s0 =	stileid.u32;
	s1 =	sshll.u32 s3, $0x4  }
0x4: {  	s2 =	simm.s32 $0x0;
	s6 =	simm.s32 $0x1;
	s1 =	sor.u32 s0, s1  }
0x5: {  	s7 =	simm.s32 $0x2710;
	s8 =	simm.s32 $0x2;
	s5 =	smul.u32 $0x2710, s1  }
0x6: {  	s9 =	simm.s32 $0x0;
	[smem:$0x7FF] =	sst s2;
	s3 =	ssub.s32 $0x2, s3  }
0x7: {  	s31 =	sshrl.u32 s3, $0x1;
	s1 =	rddreg [dreg:$0x1];
	s5 =	sshrl.u32 s5, $0x3  }
0x8: {  	_ =	strace $0x80000047;
	s4 =	sadd.s32 s5, s4;
	s5 =	ssub.s32 s3, s31  }
0x9: {  	v0 =	vimm.f32 $0.0e+00;
	v1 =	vimm.f32 $1.000000000e+00;
	s3 =	sadd.s32 $0xCA40, s4;
	s4 =	sadd.s32 $0x16800, s4;
	s5 =	smax.u32 s5, $0x1  }
.LBB2_1:
0xa: {  	[tilespmem:s2], [sflag:$0x1] =	stream.linear.gather [hbm4b:s3+s2], $0x2710, $0x38;
	[tilespmem:$0x4E20] =	vst v63  }
0xb: {  	s10 =	simm.s32 $0x40;
	s11 =	simm.s32 $0x0  }
.LBB2_2:
0xc: {  	p0 =	sne.s32 s10, $0x9C00;
	[tilespmem:s11+$0x2710] =	vst v0;
	s11 =	smov.u32 s10;
	s10 =	sadd.s32 $0x40, s10  }
.Ltmp0:
0xd: {  	(pc) =	sbr.rel @p0 .LBB2_2-.Ltmp0, $2  }
0xe: {  	_ =	sdelay $0x2  }
0xf: {  	s11 =	sshra.s32 s11, $0x2  }
0x10: {  	[tilespmem:s11+$0x2710] =	vst v0  }
0x11: {  	_ =	swait.ge [sflag:s6], $0x2710  }
0x12: {  	[sflag:s6] =	ssyncset.done $0x0  }
0x13: {  	s11 =	simm.s32 $0x0;
	s10 =	simm.s32 $0x40;
	[sflag:s6] =	ssyncadd.s32 $0xFFFFD8F0  }
.LBB2_4:
0x14: {  	p0 =	sne.s32 s10, $0x9C00;
	v2 =	vld [tilespmem:s11+$0x0];
	_ =	sdelay $0x3  }
.Ltmp1:
0x15: {  	(pc) =	sbr.rel @p0 .LBB2_4-.Ltmp1, $2  }
0x16: {  	_ =	sdelay $0x2  }
0x17: {  	s11 =	sshra.s32 s10, $0x2;
	s10 =	sadd.s32 $0x40, s10;
	[tilespmem:v2+s7+$0x0] =	vst.idx.add.f32.msk $0xffff, v1  }
0x18: {  	v2 =	vld [tilespmem:s11+$0x0];
	_ =	sdelay $0x5  }
0x19: {  	s9 =	sadd.s32 $0x1, s9  }
0x1a: {  	p0 =	sne.s32 s9, s5  }
.Ltmp2:
0x1b: {  	[tilespmem:v2+s7+$0x0] =	vst.idx.add.f32.msk $0xffff, v1;
	(pc) =	sbr.rel @p0 .LBB2_1-.Ltmp2, $4  }
0x1c: {  	[hbm4b:s4+s2] =	stream.linear.scatter [tilespmem:s7], [sflag:$0x2], $0x2710, $0x38;
	[tilespmem:$0x4E20] =	vst v63  }
0x1d: {  	_ =	swait.ge [sflag:s8], $0x2710  }
0x1e: {  	[sflag:s8] =	ssyncset.done $0x0  }
0x1f: {  	[sflag:s8] =	ssyncadd.s32 $0xFFFFD8F0  }
0x20: {  	_ =	sfence.sel $0x180000  }
0x21: {  	[bflag:$0x0] =	sbarrier.arrive $0xFFFF  }
0x22: {  	p0 =	sne.s32 s0, $0x0;
	_ =	strace $0x90000047  }
0x23: {  	s0 =	sadd.s32 @!p0 $0x100000, s1;
	[bflag:$0x2] =	sbarrier.arrive $0xFFFF  }
0x24: {  	[sflag:s0] =	ssyncadd.tile.s32 @!p0 $0x1;
	_ =	shalt  }
.Lfunc_end2:
_tile_overlayer_lowered:
.L_overlay_start_2:
0x25: {  	(tag) =	ssettag $0x2  }
0x26: {  	s0 =	rddreg [dreg:$0x0];
	s2 =	stileid.u32  }
0x27: {  	s1 =	rddreg [dreg:$0x1];
	p0 =	sne.s32 s2, $0x0  }
0x28: {  	s3 =	rddreg [dreg:$0x2];
	[bflag:$0x3] =	sbarrier.arrive $0xFFFF;
	s2 =	simm.s32 @!p0 $0x1C02  }
0x29: {  	[timem:s3], [sflag:s2] =	dma.local @!p0 [hbm:s0], s1  }
0x2a: {  	s0 =	simm.s32 @!p0 $0x2  }
0x2b: {  	_ =	swait.ge @!p0 [sflag:s0], s1  }
0x2c: {  	s1 =	ssub.s32 @!p0 $0x0, s1;
	[sflag:s0] =	ssyncset.done @!p0 $0x0  }
0x2d: {  	[sflag:s0] =	ssyncadd.s32 @!p0 s1  }
0x2e: {  	[bflag:$0x3] =	sbarrier.arrive $0xFFFF  }
0x2f: {  	_ =	shalt  }

</sc_bundles>
